<compile_context>
chip_gen: v7x
topology: tpu7x:2x2x1
jax: 0.10.2.dev20260603
libtpu: 0.0.44.dev20260713+nightly
codegen_flags: <defaults>
</compile_context>

<pallas_src>
import functools

import jax
import jax.numpy as jnp
from jax import lax
from jax.experimental import pallas as pl
from jax.experimental.pallas import tpu as pltpu
from jax.experimental.pallas import tpu_sc as plsc

N = 10000
E = 320000
D = 128
G = 64

CH = 80
TPC = 125
RPT = 640
NPAD = 10240

BLK = 1000
NB = N // BLK

_HI = jax.lax.Precision.HIGHEST



NCPAD = 10240


def _make_sc_spmm(with_cnt):
  out_type = [jax.ShapeDtypeStruct((2, NPAD, D), jnp.float32)]
  scratch = [
      pltpu.VMEM((TPC, CH), jnp.int32),
      [pltpu.VMEM((CH,), jnp.int32) for _ in range(2)],
      [pltpu.VMEM((CH,), jnp.int32) for _ in range(2)],
      [pltpu.VMEM((CH, D), jnp.float32) for _ in range(2)],
      pltpu.VMEM_SHARED((NPAD, D), jnp.float32),
      [pltpu.SemaphoreType.DMA for _ in range(2)],
  ]
  if with_cnt:
    out_type.append(jax.ShapeDtypeStruct((2, NCPAD), jnp.float32))
    scratch += [
        pltpu.VMEM((CH,), jnp.float32),
        pltpu.VMEM_SHARED((NCPAD,), jnp.float32),
    ]

  mesh = plsc.VectorSubcoreMesh(core_axis_name="c", subcore_axis_name="s")

  def body(x_hbm, src_hbm, zeros_hbm, ones_hbm, *rest):
    if with_cnt:
      (acc_out, cnt_out, pk_v, ss, dd, rows, acc_sh, gsem,
       ones_v, cnt_sh) = rest
    else:
      (acc_out, pk_v, ss, dd, rows, acc_sh, gsem) = rest
    c = lax.axis_index("c")
    s = lax.axis_index("s")
    wid = c * 16 + s

    pltpu.sync_copy(zeros_hbm, acc_sh.at[pl.ds(s * RPT, RPT)])
    if with_cnt:
      pltpu.sync_copy(ones_hbm, ones_v)

      def zloop(j, _):
        idx = j * 16 + s
        pltpu.sync_copy(zeros_hbm.at[0], cnt_sh.at[pl.ds(idx * D, D)])
        return 0
      lax.fori_loop(0, NCPAD // (16 * D), zloop, 0)

    pltpu.sync_copy(src_hbm.at[wid], pk_v)
    plsc.subcore_barrier()

    def _unpack(j, k):
      for q in range(CH // 16):
        pk = pk_v[j, pl.ds(q * 16, 16)]
        ss[k][pl.ds(q * 16, 16)] = pk & 0xFFFF
        dd[k][pl.ds(q * 16, 16)] = lax.shift_right_logical(pk, 16)

    def _issue_gather(k):
      pltpu.async_copy(x_hbm.at[ss[k]], rows[k], gsem[k])

    def _wait_gather(k):
      pltpu.make_async_copy(x_hbm.at[ss[k]], rows[k], gsem[k]).wait()

    def _scatter(k):
      if with_cnt:
        cdesc = pltpu.async_copy(ones_v, cnt_sh.at[dd[k]], gsem[k], add=True)
        pltpu.sync_copy(rows[k], acc_sh.at[dd[k]], add=True)
        cdesc.wait()
      else:
        pltpu.sync_copy(rows[k], acc_sh.at[dd[k]], add=True)

    _unpack(0, 0)
    _issue_gather(0)

    def chunk2(t, _):
      ja = 2 * t
      _unpack(ja + 1, 1)
      _issue_gather(1)
      _wait_gather(0)
      _scatter(0)
      _unpack(ja + 2, 0)
      _issue_gather(0)
      _wait_gather(1)
      _scatter(1)
      return 0
    lax.fori_loop(0, (TPC - 1) // 2, chunk2, 0)

    _wait_gather(0)
    _scatter(0)

    plsc.subcore_barrier()
    pltpu.sync_copy(acc_sh.at[pl.ds(s * RPT, RPT)],
                    acc_out.at[c, pl.ds(s * RPT, RPT)])
    if with_cnt:
      @pl.when(s == 0)
      def _():
        pltpu.sync_copy(cnt_sh, cnt_out.at[c])

  return functools.partial(pl.kernel, out_type=out_type, mesh=mesh,
                           scratch_types=scratch)(body)


_sc_spmm_cnt = _make_sc_spmm(True)
_sc_spmm = _make_sc_spmm(False)



def _xr_body(x, wroot, b, xr_ref):
  xr_ref[...] = jnp.dot(x[...], wroot[...], precision=_HI) + b[...]


def _tc1_body(aggp, cnt0, cnt1, xr, wrel, h_ref):
  cnt = cnt0[0, 0, :] + cnt1[0, 0, :]
  inv = 1.0 / jnp.maximum(cnt, 1.0)
  a = aggp[...]
  agg = (a[0] + a[1]) * inv[:, None]
  h = jnp.dot(agg, wrel[...], precision=_HI) + xr[...]
  h_ref[...] = jnp.maximum(h, 0.0)



def _tc23_body(aggp, cnt0, cnt1, h, wrel, wroot, b, gamma, beta,
               batch, wl1a, wl1b, bl1, wl2, bl2,
               out_ref, h2_s, stat_acc, pool1_acc, pool_acc, gcnt_acc):
  p = pl.program_id(0)
  i = pl.program_id(1)

  @pl.when((p == 0) & (i == 0))
  def _():
    stat_acc[...] = jnp.zeros_like(stat_acc)
    pool1_acc[...] = jnp.zeros_like(pool1_acc)
    pool_acc[...] = jnp.zeros_like(pool_acc)
    gcnt_acc[...] = jnp.zeros_like(gcnt_acc)

  bt = batch[0, 0, :]
  oh = (bt[None, :] == lax.broadcasted_iota(jnp.int32, (G, BLK), 0)
        ).astype(jnp.float32)

  @pl.when(p == 0)
  def _():
    cnt = cnt0[0, 0, :] + cnt1[0, 0, :]
    inv = 1.0 / jnp.maximum(cnt, 1.0)
    a = aggp[...]
    agg = (a[0] + a[1]) * inv[:, None]
    hb = h[...]
    h2 = (jnp.dot(agg, wrel[...], precision=_HI)
          + jnp.dot(hb, wroot[...], precision=_HI) + b[...])
    h2_s[pl.ds(i * BLK, BLK), :] = h2
    stat_acc[0:1, :] += jnp.sum(h2, axis=0, keepdims=True)
    stat_acc[1:2, :] += jnp.sum(h2 * h2, axis=0, keepdims=True)
    pool1_acc[...] += jnp.dot(oh, hb, precision=_HI)
    gcnt_acc[...] += jnp.sum(oh, axis=1, keepdims=True)

  @pl.when(p == 1)
  def _():
    mu = stat_acc[0:1, :] * (1.0 / N)
    ex2 = stat_acc[1:2, :] * (1.0 / N)
    var = ex2 - mu * mu
    rstd = lax.rsqrt(var + 1e-5)
    h2 = h2_s[pl.ds(i * BLK, BLK), :]
    h2n = (h2 - mu) * (rstd * gamma[...]) + beta[...]
    h2n = jnp.maximum(h2n, 0.0)
    pool_acc[...] += jnp.dot(oh, h2n, precision=_HI)

  @pl.when((p == 1) & (i == NB - 1))
  def _():
    gc = jnp.maximum(gcnt_acc[...], 1.0)
    pool1 = pool1_acc[...] / gc
    pool2 = pool_acc[...] / gc
    z = (jnp.dot(pool1, wl1a[...], precision=_HI)
         + jnp.dot(pool2, wl1b[...], precision=_HI) + bl1[...])
    z = jnp.maximum(z, 0.0)
    out_ref[...] = jnp.dot(z, wl2[...], precision=_HI) + bl2[...]


def _row_spec():
  return pl.BlockSpec((BLK, D), lambda i: (i, 0))


def _full(shape):
  return pl.BlockSpec(shape, lambda i: tuple(0 for _ in shape))


def _vec_spec():
  return pl.BlockSpec((1, 1, BLK), lambda i: (i, 0, 0))


def kernel(x, edge_index, batch, W_rel1, W_root1, b1, W_rel2, W_root2, b2,
           gamma, beta, W_lin1, b_lin1, W_lin2, b_lin2):
  src2 = edge_index[0].reshape(32, TPC, CH)
  dst2 = edge_index[1].reshape(32, TPC, CH)
  idx = src2 | (dst2 << 16)
  zeros = jnp.zeros((RPT, D), jnp.float32)
  ones = jnp.ones((CH,), jnp.float32)

  xr = pl.pallas_call(
      _xr_body,
      grid=(NB,),
      in_specs=[_row_spec(), _full((D, D)), _full((1, D))],
      out_specs=_row_spec(),
      out_shape=jax.ShapeDtypeStruct((N, D), jnp.float32),
  )(x, W_root1, b1.reshape(1, D))

  aggp1, cntp = _sc_spmm_cnt(x, idx, zeros, ones)

  cnt0 = cntp[0, :N].reshape(NB, 1, BLK)
  cnt1 = cntp[1, :N].reshape(NB, 1, BLK)
  batch3 = batch.reshape(NB, 1, BLK)

  h = pl.pallas_call(
      _tc1_body,
      grid=(NB,),
      in_specs=[
          pl.BlockSpec((2, BLK, D), lambda i: (0, i, 0)),
          _vec_spec(), _vec_spec(),
          _row_spec(),
          _full((D, D)),
      ],
      out_specs=_row_spec(),
      out_shape=jax.ShapeDtypeStruct((N, D), jnp.float32),
  )(aggp1, cnt0, cnt1, xr, W_rel1)

  aggp2 = _sc_spmm(h, idx, zeros, ones)
  if isinstance(aggp2, (list, tuple)):
    aggp2 = aggp2[0]

  row23 = lambda p, i: (i * (1 - p) + (NB - 1) * p, 0)
  out = pl.pallas_call(
      _tc23_body,
      grid=(2, NB),
      in_specs=[
          pl.BlockSpec((2, BLK, D),
                       lambda p, i: (0, i * (1 - p) + (NB - 1) * p, 0)),
          pl.BlockSpec((1, 1, BLK),
                       lambda p, i: (i * (1 - p) + (NB - 1) * p, 0, 0)),
          pl.BlockSpec((1, 1, BLK),
                       lambda p, i: (i * (1 - p) + (NB - 1) * p, 0, 0)),
          pl.BlockSpec((BLK, D), row23),
          pl.BlockSpec((D, D), lambda p, i: (0, 0)),
          pl.BlockSpec((D, D), lambda p, i: (0, 0)),
          pl.BlockSpec((1, D), lambda p, i: (0, 0)),
          pl.BlockSpec((1, D), lambda p, i: (0, 0)),
          pl.BlockSpec((1, D), lambda p, i: (0, 0)),
          pl.BlockSpec((1, 1, BLK), lambda p, i: (i, 0, 0)),
          pl.BlockSpec((D, D), lambda p, i: (0, 0)),
          pl.BlockSpec((D, D), lambda p, i: (0, 0)),
          pl.BlockSpec((1, D), lambda p, i: (0, 0)),
          pl.BlockSpec((D, D), lambda p, i: (0, 0)),
          pl.BlockSpec((1, D), lambda p, i: (0, 0)),
      ],
      out_specs=pl.BlockSpec((G, D), lambda p, i: (0, 0)),
      out_shape=jax.ShapeDtypeStruct((G, D), jnp.float32),
      scratch_shapes=[pltpu.VMEM((N, D), jnp.float32),
                      pltpu.VMEM((8, D), jnp.float32),
                      pltpu.VMEM((G, D), jnp.float32),
                      pltpu.VMEM((G, D), jnp.float32),
                      pltpu.VMEM((G, 1), jnp.float32)],
  )(aggp2, cnt0, cnt1, h, W_rel2, W_root2, b2.reshape(1, D),
    gamma.reshape(1, D), beta.reshape(1, D), batch3,
    W_lin1[:D], W_lin1[D:], b_lin1.reshape(1, D), W_lin2,
    b_lin2.reshape(1, D))

  return out

# --- scband reference (transcript-rebuilt; emitter-appended) ---
"""Pipeline reference for scband-asap-5111011083137 (READ-ONLY COPY).

The authoritative reference and input builder live on the scoring server;
editing this copy changes nothing except your own understanding.
"""

import jax, jax.numpy as jnp
import numpy as np

N = 10000
E = 320000
D = 128
H = 128
OUT = 128
G = 64


def setup_inputs(seed: int = 0):
    key = jax.random.key(seed)
    ks = jax.random.split(key, 16)
    x = jax.random.normal(ks[0], (N, D), dtype=jnp.float32)
    edge_index = jax.random.randint(ks[1], (2, E), 0, N, dtype=jnp.int32)
    batch = jnp.sort(jax.random.randint(ks[2], (N,), 0, G, dtype=jnp.int32))
    s = 1.0 / np.sqrt(D)
    sh = 1.0 / np.sqrt(H)
    s2 = 1.0 / np.sqrt(2 * H)
    W_rel1 = jax.random.normal(ks[3], (D, H), dtype=jnp.float32) * s
    W_root1 = jax.random.normal(ks[4], (D, H), dtype=jnp.float32) * s
    b1 = jnp.zeros((H,), jnp.float32)
    W_rel2 = jax.random.normal(ks[5], (H, H), dtype=jnp.float32) * sh
    W_root2 = jax.random.normal(ks[6], (H, H), dtype=jnp.float32) * sh
    b2 = jnp.zeros((H,), jnp.float32)
    gamma = jnp.ones((H,), jnp.float32)
    beta = jnp.zeros((H,), jnp.float32)
    W_lin1 = jax.random.normal(ks[7], (2 * H, H), dtype=jnp.float32) * s2
    b_lin1 = jnp.zeros((H,), jnp.float32)
    W_lin2 = jax.random.normal(ks[8], (H, OUT), dtype=jnp.float32) * sh
    b_lin2 = jnp.zeros((OUT,), jnp.float32)
    return {"x": x, "edge_index": edge_index, "batch": batch,
            "W_rel1": W_rel1, "W_root1": W_root1, "b1": b1,
            "W_rel2": W_rel2, "W_root2": W_root2, "b2": b2,
            "gamma": gamma, "beta": beta,
            "W_lin1": W_lin1, "b_lin1": b_lin1,
            "W_lin2": W_lin2, "b_lin2": b_lin2}


def _graph_conv_mean(x, edge_index, W_rel, W_root, b):
    # PyG GraphConv with aggr='mean': lin_rel(mean_j x_j) + lin_root(x)
    src = edge_index[0]
    dst = edge_index[1]
    msg = jnp.take(x, src, axis=0)
    agg = jax.ops.segment_sum(msg, dst, num_segments=x.shape[0])
    cnt = jax.ops.segment_sum(jnp.ones((msg.shape[0],), x.dtype), dst, num_segments=x.shape[0])
    agg = agg / jnp.maximum(cnt, 1.0)[:, None]
    return agg @ W_rel + x @ W_root + b


def _global_mean_pool(x, batch, num_graphs):
    s = jax.ops.segment_sum(x, batch, num_segments=num_graphs)
    c = jax.ops.segment_sum(jnp.ones((x.shape[0],), x.dtype), batch, num_segments=num_graphs)
    return s / jnp.maximum(c, 1.0)[:, None]


def _batch_norm(x, gamma, beta, eps=1e-5):
    mu = jnp.mean(x, axis=0)
    var = jnp.var(x, axis=0)
    return (x - mu) / jnp.sqrt(var + eps) * gamma + beta


def reference(x, edge_index, batch, W_rel1, W_root1, b1, W_rel2, W_root2, b2, gamma, beta, W_lin1, b_lin1, W_lin2, b_lin2):
    h = jax.nn.relu(_graph_conv_mean(x, edge_index, W_rel1, W_root1, b1))
    xs = [_global_mean_pool(h, batch, G)]
    h = _graph_conv_mean(h, edge_index, W_rel2, W_root2, b2)
    h = _batch_norm(h, gamma, beta)
    h = jax.nn.relu(h)
    xs.append(_global_mean_pool(h, batch, G))
    z = jnp.concatenate(xs, axis=1)  # JumpingKnowledge mode='cat'
    z = jax.nn.relu(z @ W_lin1 + b_lin1)
    # dropout is identity in deterministic/eval reference
    z = z @ W_lin2 + b_lin2
    return z

if __name__ == "__main__":
    import jax
    _d = setup_inputs()
    print(jax.jit(kernel)(*tuple(_d.values())))

</pallas_src>

<mosaic_0001>
#map = affine_map<(d0, d1) -> (0, 0)>
#map1 = affine_map<(d0, d1) -> (0, 0, 0)>
#map2 = affine_map<(d0, d1) -> (0)>
module attributes {stable_mosaic.version = 14 : i64} {
  func.func @body(%arg0: i32, %arg1: i32, %arg2: memref<10000x128xf32, #tpu.memory_space<hbm>>, %arg3: memref<32x125x80xi32, #tpu.memory_space<hbm>>, %arg4: memref<640x128xf32, #tpu.memory_space<hbm>>, %arg5: memref<80xf32, #tpu.memory_space<hbm>>, %arg6: memref<2x10240x128xf32, #tpu.memory_space<hbm>>, %arg7: memref<2x10240xf32, #tpu.memory_space<hbm>>, %arg8: memref<125x80xi32, #tpu.memory_space<vmem>>, %arg9: memref<80xi32, #tpu.memory_space<vmem>>, %arg10: memref<80xi32, #tpu.memory_space<vmem>>, %arg11: memref<80xi32, #tpu.memory_space<vmem>>, %arg12: memref<80xi32, #tpu.memory_space<vmem>>, %arg13: memref<80x128xf32, #tpu.memory_space<vmem>>, %arg14: memref<80x128xf32, #tpu.memory_space<vmem>>, %arg15: memref<10240x128xf32, #tpu.memory_space<vmem_shared>>, %arg16: memref<!tpu.dma_semaphore, #tpu.memory_space<semaphore_mem>>, %arg17: memref<!tpu.dma_semaphore, #tpu.memory_space<semaphore_mem>>, %arg18: memref<80xf32, #tpu.memory_space<vmem>>, %arg19: memref<10240xf32, #tpu.memory_space<vmem_shared>>) attributes {dimension_semantics = [#tpu.dimension_semantics<core_parallel>, #tpu.dimension_semantics<subcore_parallel>], iteration_bounds = array<i64: 2, 16>, scalar_prefetch = 0 : i64, scratch_operands = 12 : i64, tpu.core_type = #tpu.core_type<sc_vector_subcore>, window_params = [{transform_indices = #map}, {transform_indices = #map1}, {transform_indices = #map}, {transform_indices = #map2}, {transform_indices = #map1}, {transform_indices = #map}]} {
    %mul3A = arith.constant 16 : i32
    %mul3A_0 = arith.muli %arg0, %mul3A : i32
    %add3A = arith.addi %mul3A_0, %arg1 : i32
    %mul3A_1 = arith.constant 640 : i32
    %mul3A_2 = arith.muli %arg1, %mul3A_1 : i32
    "tpu.region"() ({
      %run_scoped3A = tpu.sem_alloc : memref<!tpu.dma_semaphore, #tpu.memory_space<semaphore_mem>>
      %dma_start3A_122 = arith.constant 0 : i32
      %dma_start3A_123 = tpu.memref_slice %arg15[%mul3A_2, %dma_start3A_122] : memref<10240x128xf32, #tpu.memory_space<vmem_shared>> -> memref<640x128xf32, #tpu.memory_space<vmem_shared>>
      tpu.enqueue_dma source(%arg4 : memref<640x128xf32, #tpu.memory_space<hbm>>) target(%dma_start3A_123 : memref<640x128xf32, #tpu.memory_space<vmem_shared>>) target_semaphore(%run_scoped3A : memref<!tpu.dma_semaphore, #tpu.memory_space<semaphore_mem>>)
      %dma_wait3A_124 = arith.constant 0 : i32
      %dma_wait3A_125 = tpu.memref_slice %arg15[%mul3A_2, %dma_wait3A_124] : memref<10240x128xf32, #tpu.memory_space<vmem_shared>> -> memref<640x128xf32, #tpu.memory_space<vmem_shared>>
      tpu.wait_dma2 semaphore(%run_scoped3A : memref<!tpu.dma_semaphore, #tpu.memory_space<semaphore_mem>>) src(%arg4 : memref<640x128xf32, #tpu.memory_space<hbm>>) dst(%dma_wait3A_125 : memref<640x128xf32, #tpu.memory_space<vmem_shared>>)
      tpu.yield
    }) : () -> ()
    "tpu.region"() ({
      %run_scoped3A = tpu.sem_alloc : memref<!tpu.dma_semaphore, #tpu.memory_space<semaphore_mem>>
      tpu.enqueue_dma source(%arg5 : memref<80xf32, #tpu.memory_space<hbm>>) target(%arg18 : memref<80xf32, #tpu.memory_space<vmem>>) target_semaphore(%run_scoped3A : memref<!tpu.dma_semaphore, #tpu.memory_space<semaphore_mem>>)
      tpu.wait_dma2 semaphore(%run_scoped3A : memref<!tpu.dma_semaphore, #tpu.memory_space<semaphore_mem>>) src(%arg5 : memref<80xf32, #tpu.memory_space<hbm>>) dst(%arg18 : memref<80xf32, #tpu.memory_space<vmem>>)
      tpu.yield
    }) : () -> ()
    %scan3A = arith.constant 0 : i32
    %scan3A_3 = arith.constant 0 : i32
    %scan3A_4 = arith.constant 5 : i32
    %scan3A_5 = arith.addi %scan3A_3, %scan3A_4 : i32
    %scan3A_6 = arith.constant 1 : i32
    %scan3A_7 = scf.for %scan3A_122 = %scan3A_3 to %scan3A_5 step %scan3A_6 iter_args(%scan3A_123 = %scan3A) -> (i32)  : i32 {
      %mul3A_124 = arith.constant 16 : i32
      %mul3A_125 = arith.muli %scan3A_122, %mul3A_124 : i32
      %add3A_126 = arith.addi %mul3A_125, %arg1 : i32
      %mul3A_127 = arith.constant 128 : i32
      %mul3A_128 = arith.muli %add3A_126, %mul3A_127 : i32
      %run_scoped3A = arith.constant 0 : i32
      "tpu.region"() ({
        %run_scoped3A_130 = tpu.sem_alloc : memref<!tpu.dma_semaphore, #tpu.memory_space<semaphore_mem>>
        %dma_start3A_131 = tpu.memref_slice %arg19[%mul3A_128] : memref<10240xf32, #tpu.memory_space<vmem_shared>> -> memref<128xf32, #tpu.memory_space<vmem_shared>>
        %dma_start3A_132 = arith.constant 0 : i32
        %dma_start3A_133 = tpu.memref_slice %arg4[%run_scoped3A, %dma_start3A_132] : memref<640x128xf32, #tpu.memory_space<hbm>> -> memref<1x128xf32, #tpu.memory_space<hbm>>
        %dma_start3A_134 = tpu.memref_squeeze %dma_start3A_133 : memref<1x128xf32, #tpu.memory_space<hbm>> -> memref<128xf32, #tpu.memory_space<hbm>>
        tpu.enqueue_dma source(%dma_start3A_134 : memref<128xf32, #tpu.memory_space<hbm>>) target(%dma_start3A_131 : memref<128xf32, #tpu.memory_space<vmem_shared>>) target_semaphore(%run_scoped3A_130 : memref<!tpu.dma_semaphore, #tpu.memory_space<semaphore_mem>>)
        %dma_wait3A_135 = tpu.memref_slice %arg19[%mul3A_128] : memref<10240xf32, #tpu.memory_space<vmem_shared>> -> memref<128xf32, #tpu.memory_space<vmem_shared>>
        %dma_wait3A_136 = arith.constant 0 : i32
        %dma_wait3A_137 = tpu.memref_slice %arg4[%run_scoped3A, %dma_wait3A_136] : memref<640x128xf32, #tpu.memory_space<hbm>> -> memref<1x128xf32, #tpu.memory_space<hbm>>
        %dma_wait3A_138 = tpu.memref_squeeze %dma_wait3A_137 : memref<1x128xf32, #tpu.memory_space<hbm>> -> memref<128xf32, #tpu.memory_space<hbm>>
        tpu.wait_dma2 semaphore(%run_scoped3A_130 : memref<!tpu.dma_semaphore, #tpu.memory_space<semaphore_mem>>) src(%dma_wait3A_138 : memref<128xf32, #tpu.memory_space<hbm>>) dst(%dma_wait3A_135 : memref<128xf32, #tpu.memory_space<vmem_shared>>)
        tpu.yield
      }) : () -> ()
      %scan3A_129 = arith.constant 0 : i32
      scf.yield %scan3A_129 : i32
    }
    %scan3A_8 = arith.constant 5 : i32
    "tpu.region"() ({
      %run_scoped3A = tpu.sem_alloc : memref<!tpu.dma_semaphore, #tpu.memory_space<semaphore_mem>>
      %dma_start3A_122 = arith.constant 0 : i32
      %dma_start3A_123 = arith.constant 0 : i32
      %dma_start3A_124 = tpu.memref_slice %arg3[%add3A, %dma_start3A_122, %dma_start3A_123] : memref<32x125x80xi32, #tpu.memory_space<hbm>> -> memref<1x125x80xi32, #tpu.memory_space<hbm>>
      %dma_start3A_125 = tpu.memref_squeeze %dma_start3A_124 : memref<1x125x80xi32, #tpu.memory_space<hbm>> -> memref<125x80xi32, #tpu.memory_space<hbm>>
      %dma_start3A_126 = arith.constant 0 : i32
      %dma_start3A_127 = arith.constant 0 : i32
      %dma_start3A_128 = tpu.memref_slice %arg3[%add3A, %dma_start3A_126, %dma_start3A_127] : memref<32x125x80xi32, #tpu.memory_space<hbm>> -> memref<1x125x80xi32, #tpu.memory_space<hbm>>
      %dma_start3A_129 = tpu.memref_squeeze %dma_start3A_128 : memref<1x125x80xi32, #tpu.memory_space<hbm>> -> memref<125x80xi32, #tpu.memory_space<hbm>>
      tpu.enqueue_dma source(%dma_start3A_129 : memref<125x80xi32, #tpu.memory_space<hbm>>) target(%arg8 : memref<125x80xi32, #tpu.memory_space<vmem>>) target_semaphore(%run_scoped3A : memref<!tpu.dma_semaphore, #tpu.memory_space<semaphore_mem>>)
      %dma_wait3A_130 = arith.constant 0 : i32
      %dma_wait3A_131 = arith.constant 0 : i32
      %dma_wait3A_132 = tpu.memref_slice %arg3[%add3A, %dma_wait3A_130, %dma_wait3A_131] : memref<32x125x80xi32, #tpu.memory_space<hbm>> -> memref<1x125x80xi32, #tpu.memory_space<hbm>>
      %dma_wait3A_133 = tpu.memref_squeeze %dma_wait3A_132 : memref<1x125x80xi32, #tpu.memory_space<hbm>> -> memref<125x80xi32, #tpu.memory_space<hbm>>
      %dma_wait3A_134 = arith.constant 0 : i32
      %dma_wait3A_135 = arith.constant 0 : i32
      %dma_wait3A_136 = tpu.memref_slice %arg3[%add3A, %dma_wait3A_134, %dma_wait3A_135] : memref<32x125x80xi32, #tpu.memory_space<hbm>> -> memref<1x125x80xi32, #tpu.memory_space<hbm>>
      %dma_wait3A_137 = tpu.memref_squeeze %dma_wait3A_136 : memref<1x125x80xi32, #tpu.memory_space<hbm>> -> memref<125x80xi32, #tpu.memory_space<hbm>>
      tpu.wait_dma2 semaphore(%run_scoped3A : memref<!tpu.dma_semaphore, #tpu.memory_space<semaphore_mem>>) src(%dma_wait3A_137 : memref<125x80xi32, #tpu.memory_space<hbm>>) dst(%arg8 : memref<125x80xi32, #tpu.memory_space<vmem>>)
      tpu.yield
    }) : () -> ()
    %barrier3A = arith.constant 0 : index
    tpu.barrier barrier_id(%barrier3A)
    %get3A = arith.constant 0 : i32
    %get3A_9 = arith.index_cast %get3A : i32 to index
    %get3A_10 = arith.constant 0 : index
    %get3A_11 = tpu.vector_load %arg8[%get3A_9, %get3A_10] {strides = array<i32>} : memref<125x80xi32, #tpu.memory_space<vmem>>, vector<1x16xi32>,
    %get3A_12 = vector.shape_cast %get3A_11 : vector<1x16xi32> to vector<16xi32>
    %and3A = arith.constant 65535 : i32
    %and3A_13 = vector.broadcast %and3A : i32 to vector<16xi32>
    %and3A_14 = arith.andi %get3A_12, %and3A_13 : vector<16xi32>
    %swap3A = arith.constant 0 : index
    %swap3A_15 = tpu.vector_load %arg9[%swap3A] {strides = array<i32>} : memref<80xi32, #tpu.memory_space<vmem>>, vector<16xi32>,
    %swap3A_16 = vector.shape_cast %swap3A_15 : vector<16xi32> to vector<16xi32>
    %swap3A_17 = vector.shape_cast %and3A_14 : vector<16xi32> to vector<16xi32>
    tpu.vector_store %arg9[%swap3A], %swap3A_17 {strides = array<i32>} : memref<80xi32, #tpu.memory_space<vmem>>, vector<16xi32>,
    %shift_right_logical3A = arith.constant 16 : i32
    %shift_right_logical3A_18 = vector.broadcast %shift_right_logical3A : i32 to vector<16xi32>
    %shift_right_logical3A_19 = arith.shrui %get3A_12, %shift_right_logical3A_18 : vector<16xi32>
    %swap3A_20 = arith.constant 0 : index
    %swap3A_21 = tpu.vector_load %arg11[%swap3A_20] {strides = array<i32>} : memref<80xi32, #tpu.memory_space<vmem>>, vector<16xi32>,
    %swap3A_22 = vector.shape_cast %swap3A_21 : vector<16xi32> to vector<16xi32>
    %swap3A_23 = vector.shape_cast %shift_right_logical3A_19 : vector<16xi32> to vector<16xi32>
    tpu.vector_store %arg11[%swap3A_20], %swap3A_23 {strides = array<i32>} : memref<80xi32, #tpu.memory_space<vmem>>, vector<16xi32>,
    %get3A_24 = arith.constant 0 : i32
    %get3A_25 = arith.index_cast %get3A_24 : i32 to index
    %get3A_26 = arith.constant 16 : index
    %get3A_27 = tpu.vector_load %arg8[%get3A_25, %get3A_26] {strides = array<i32>} : memref<125x80xi32, #tpu.memory_space<vmem>>, vector<1x16xi32>,
    %get3A_28 = vector.shape_cast %get3A_27 : vector<1x16xi32> to vector<16xi32>
    %and3A_29 = arith.constant 65535 : i32
    %and3A_30 = vector.broadcast %and3A_29 : i32 to vector<16xi32>
    %and3A_31 = arith.andi %get3A_28, %and3A_30 : vector<16xi32>
    %swap3A_32 = arith.constant 16 : index
    %swap3A_33 = tpu.vector_load %arg9[%swap3A_32] {strides = array<i32>} : memref<80xi32, #tpu.memory_space<vmem>>, vector<16xi32>,
    %swap3A_34 = vector.shape_cast %swap3A_33 : vector<16xi32> to vector<16xi32>
    %swap3A_35 = vector.shape_cast %and3A_31 : vector<16xi32> to vector<16xi32>
    tpu.vector_store %arg9[%swap3A_32], %swap3A_35 {strides = array<i32>} : memref<80xi32, #tpu.memory_space<vmem>>, vector<16xi32>,
    %shift_right_logical3A_36 = arith.constant 16 : i32
    %shift_right_logical3A_37 = vector.broadcast %shift_right_logical3A_36 : i32 to vector<16xi32>
    %shift_right_logical3A_38 = arith.shrui %get3A_28, %shift_right_logical3A_37 : vector<16xi32>
    %swap3A_39 = arith.constant 16 : index
    %swap3A_40 = tpu.vector_load %arg11[%swap3A_39] {strides = array<i32>} : memref<80xi32, #tpu.memory_space<vmem>>, vector<16xi32>,
    %swap3A_41 = vector.shape_cast %swap3A_40 : vector<16xi32> to vector<16xi32>
    %swap3A_42 = vector.shape_cast %shift_right_logical3A_38 : vector<16xi32> to vector<16xi32>
    tpu.vector_store %arg11[%swap3A_39], %swap3A_42 {strides = array<i32>} : memref<80xi32, #tpu.memory_space<vmem>>, vector<16xi32>,
    %get3A_43 = arith.constant 0 : i32
    %get3A_44 = arith.index_cast %get3A_43 : i32 to index
    %get3A_45 = arith.constant 32 : index
    %get3A_46 = tpu.vector_load %arg8[%get3A_44, %get3A_45] {strides = array<i32>} : memref<125x80xi32, #tpu.memory_space<vmem>>, vector<1x16xi32>,
    %get3A_47 = vector.shape_cast %get3A_46 : vector<1x16xi32> to vector<16xi32>
    %and3A_48 = arith.constant 65535 : i32
    %and3A_49 = vector.broadcast %and3A_48 : i32 to vector<16xi32>
    %and3A_50 = arith.andi %get3A_47, %and3A_49 : vector<16xi32>
    %swap3A_51 = arith.constant 32 : index
    %swap3A_52 = tpu.vector_load %arg9[%swap3A_51] {strides = array<i32>} : memref<80xi32, #tpu.memory_space<vmem>>, vector<16xi32>,
    %swap3A_53 = vector.shape_cast %swap3A_52 : vector<16xi32> to vector<16xi32>
    %swap3A_54 = vector.shape_cast %and3A_50 : vector<16xi32> to vector<16xi32>
    tpu.vector_store %arg9[%swap3A_51], %swap3A_54 {strides = array<i32>} : memref<80xi32, #tpu.memory_space<vmem>>, vector<16xi32>,
    %shift_right_logical3A_55 = arith.constant 16 : i32
    %shift_right_logical3A_56 = vector.broadcast %shift_right_logical3A_55 : i32 to vector<16xi32>
    %shift_right_logical3A_57 = arith.shrui %get3A_47, %shift_right_logical3A_56 : vector<16xi32>
    %swap3A_58 = arith.constant 32 : index
    %swap3A_59 = tpu.vector_load %arg11[%swap3A_58] {strides = array<i32>} : memref<80xi32, #tpu.memory_space<vmem>>, vector<16xi32>,
    %swap3A_60 = vector.shape_cast %swap3A_59 : vector<16xi32> to vector<16xi32>
    %swap3A_61 = vector.shape_cast %shift_right_logical3A_57 : vector<16xi32> to vector<16xi32>
    tpu.vector_store %arg11[%swap3A_58], %swap3A_61 {strides = array<i32>} : memref<80xi32, #tpu.memory_space<vmem>>, vector<16xi32>,
    %get3A_62 = arith.constant 0 : i32
    %get3A_63 = arith.index_cast %get3A_62 : i32 to index
    %get3A_64 = arith.constant 48 : index
    %get3A_65 = tpu.vector_load %arg8[%get3A_63, %get3A_64] {strides = array<i32>} : memref<125x80xi32, #tpu.memory_space<vmem>>, vector<1x16xi32>,
    %get3A_66 = vector.shape_cast %get3A_65 : vector<1x16xi32> to vector<16xi32>
    %and3A_67 = arith.constant 65535 : i32
    %and3A_68 = vector.broadcast %and3A_67 : i32 to vector<16xi32>
    %and3A_69 = arith.andi %get3A_66, %and3A_68 : vector<16xi32>
    %swap3A_70 = arith.constant 48 : index
    %swap3A_71 = tpu.vector_load %arg9[%swap3A_70] {strides = array<i32>} : memref<80xi32, #tpu.memory_space<vmem>>, vector<16xi32>,
    %swap3A_72 = vector.shape_cast %swap3A_71 : vector<16xi32> to vector<16xi32>
    %swap3A_73 = vector.shape_cast %and3A_69 : vector<16xi32> to vector<16xi32>
    tpu.vector_store %arg9[%swap3A_70], %swap3A_73 {strides = array<i32>} : memref<80xi32, #tpu.memory_space<vmem>>, vector<16xi32>,
    %shift_right_logical3A_74 = arith.constant 16 : i32
    %shift_right_logical3A_75 = vector.broadcast %shift_right_logical3A_74 : i32 to vector<16xi32>
    %shift_right_logical3A_76 = arith.shrui %get3A_66, %shift_right_logical3A_75 : vector<16xi32>
    %swap3A_77 = arith.constant 48 : index
    %swap3A_78 = tpu.vector_load %arg11[%swap3A_77] {strides = array<i32>} : memref<80xi32, #tpu.memory_space<vmem>>, vector<16xi32>,
    %swap3A_79 = vector.shape_cast %swap3A_78 : vector<16xi32> to vector<16xi32>
    %swap3A_80 = vector.shape_cast %shift_right_logical3A_76 : vector<16xi32> to vector<16xi32>
    tpu.vector_store %arg11[%swap3A_77], %swap3A_80 {strides = array<i32>} : memref<80xi32, #tpu.memory_space<vmem>>, vector<16xi32>,
    %get3A_81 = arith.constant 0 : i32
    %get3A_82 = arith.index_cast %get3A_81 : i32 to index
    %get3A_83 = arith.constant 64 : index
    %get3A_84 = tpu.vector_load %arg8[%get3A_82, %get3A_83] {strides = array<i32>} : memref<125x80xi32, #tpu.memory_space<vmem>>, vector<1x16xi32>,
    %get3A_85 = vector.shape_cast %get3A_84 : vector<1x16xi32> to vector<16xi32>
    %and3A_86 = arith.constant 65535 : i32
    %and3A_87 = vector.broadcast %and3A_86 : i32 to vector<16xi32>
    %and3A_88 = arith.andi %get3A_85, %and3A_87 : vector<16xi32>
    %swap3A_89 = arith.constant 64 : index
    %swap3A_90 = tpu.vector_load %arg9[%swap3A_89] {strides = array<i32>} : memref<80xi32, #tpu.memory_space<vmem>>, vector<16xi32>,
    %swap3A_91 = vector.shape_cast %swap3A_90 : vector<16xi32> to vector<16xi32>
    %swap3A_92 = vector.shape_cast %and3A_88 : vector<16xi32> to vector<16xi32>
    tpu.vector_store %arg9[%swap3A_89], %swap3A_92 {strides = array<i32>} : memref<80xi32, #tpu.memory_space<vmem>>, vector<16xi32>,
    %shift_right_logical3A_93 = arith.constant 16 : i32
    %shift_right_logical3A_94 = vector.broadcast %shift_right_logical3A_93 : i32 to vector<16xi32>
    %shift_right_logical3A_95 = arith.shrui %get3A_85, %shift_right_logical3A_94 : vector<16xi32>
    %swap3A_96 = arith.constant 64 : index
    %swap3A_97 = tpu.vector_load %arg11[%swap3A_96] {strides = array<i32>} : memref<80xi32, #tpu.memory_space<vmem>>, vector<16xi32>,
    %swap3A_98 = vector.shape_cast %swap3A_97 : vector<16xi32> to vector<16xi32>
    %swap3A_99 = vector.shape_cast %shift_right_logical3A_95 : vector<16xi32> to vector<16xi32>
    tpu.vector_store %arg11[%swap3A_96], %swap3A_99 {strides = array<i32>} : memref<80xi32, #tpu.memory_space<vmem>>, vector<16xi32>,
    %dma_start3A = arith.constant 0 : i32
    %dma_start3A_100 = arith.constant 0 : i32
    %dma_start3A_101 = tpu.memref_slice %arg2[%dma_start3A, %dma_start3A_100] : memref<10000x128xf32, #tpu.memory_space<hbm>> -> memref<10000x128xf32, #tpu.memory_space<hbm>>
    tpu.enqueue_indirect_dma source(%dma_start3A_101 : memref<10000x128xf32, #tpu.memory_space<hbm>>) target(%arg13 : memref<80x128xf32, #tpu.memory_space<vmem>>) offsets(%arg9 : memref<80xi32, #tpu.memory_space<vmem>>) semaphore(%arg16 : memref<!tpu.dma_semaphore, #tpu.memory_space<semaphore_mem>>)
    %scan3A_102 = arith.constant 0 : i32
    %scan3A_103 = arith.constant 0 : i32
    %scan3A_104 = arith.constant 62 : i32
    %scan3A_105 = arith.addi %scan3A_103, %scan3A_104 : i32
    %scan3A_106 = arith.constant 1 : i32
    %scan3A_107 = scf.for %scan3A_122 = %scan3A_103 to %scan3A_105 step %scan3A_106 iter_args(%scan3A_123 = %scan3A_102) -> (i32)  : i32 {
      %mul3A_124 = arith.constant 2 : i32
      %mul3A_125 = arith.muli %mul3A_124, %scan3A_122 : i32
      %add3A_126 = arith.constant 1 : i32
      %add3A_127 = arith.addi %mul3A_125, %add3A_126 : i32
      %get3A_128 = arith.index_cast %add3A_127 : i32 to index
      %get3A_129 = arith.constant 0 : index
      %get3A_130 = tpu.vector_load %arg8[%get3A_128, %get3A_129] {strides = array<i32>} : memref<125x80xi32, #tpu.memory_space<vmem>>, vector<1x16xi32>,
      %get3A_131 = vector.shape_cast %get3A_130 : vector<1x16xi32> to vector<16xi32>
      %and3A_132 = arith.constant 65535 : i32
      %and3A_133 = vector.broadcast %and3A_132 : i32 to vector<16xi32>
      %and3A_134 = arith.andi %get3A_131, %and3A_133 : vector<16xi32>
      %swap3A_135 = arith.constant 0 : index
      %swap3A_136 = tpu.vector_load %arg10[%swap3A_135] {strides = array<i32>} : memref<80xi32, #tpu.memory_space<vmem>>, vector<16xi32>,
      %swap3A_137 = vector.shape_cast %swap3A_136 : vector<16xi32> to vector<16xi32>
      %swap3A_138 = vector.shape_cast %and3A_134 : vector<16xi32> to vector<16xi32>
      tpu.vector_store %arg10[%swap3A_135], %swap3A_138 {strides = array<i32>} : memref<80xi32, #tpu.memory_space<vmem>>, vector<16xi32>,
      %shift_right_logical3A_139 = arith.constant 16 : i32
      %shift_right_logical3A_140 = vector.broadcast %shift_right_logical3A_139 : i32 to vector<16xi32>
      %shift_right_logical3A_141 = arith.shrui %get3A_131, %shift_right_logical3A_140 : vector<16xi32>
      %swap3A_142 = arith.constant 0 : index
      %swap3A_143 = tpu.vector_load %arg12[%swap3A_142] {strides = array<i32>} : memref<80xi32, #tpu.memory_space<vmem>>, vector<16xi32>,
      %swap3A_144 = vector.shape_cast %swap3A_143 : vector<16xi32> to vector<16xi32>
      %swap3A_145 = vector.shape_cast %shift_right_logical3A_141 : vector<16xi32> to vector<16xi32>
      tpu.vector_store %arg12[%swap3A_142], %swap3A_145 {strides = array<i32>} : memref<80xi32, #tpu.memory_space<vmem>>, vector<16xi32>,
      %get3A_146 = arith.index_cast %add3A_127 : i32 to index
      %get3A_147 = arith.constant 16 : index
      %get3A_148 = tpu.vector_load %arg8[%get3A_146, %get3A_147] {strides = array<i32>} : memref<125x80xi32, #tpu.memory_space<vmem>>, vector<1x16xi32>,
      %get3A_149 = vector.shape_cast %get3A_148 : vector<1x16xi32> to vector<16xi32>
      %and3A_150 = arith.constant 65535 : i32
      %and3A_151 = vector.broadcast %and3A_150 : i32 to vector<16xi32>
      %and3A_152 = arith.andi %get3A_149, %and3A_151 : vector<16xi32>
      %swap3A_153 = arith.constant 16 : index
      %swap3A_154 = tpu.vector_load %arg10[%swap3A_153] {strides = array<i32>} : memref<80xi32, #tpu.memory_space<vmem>>, vector<16xi32>,
      %swap3A_155 = vector.shape_cast %swap3A_154 : vector<16xi32> to vector<16xi32>
      %swap3A_156 = vector.shape_cast %and3A_152 : vector<16xi32> to vector<16xi32>
      tpu.vector_store %arg10[%swap3A_153], %swap3A_156 {strides = array<i32>} : memref<80xi32, #tpu.memory_space<vmem>>, vector<16xi32>,
      %shift_right_logical3A_157 = arith.constant 16 : i32
      %shift_right_logical3A_158 = vector.broadcast %shift_right_logical3A_157 : i32 to vector<16xi32>
      %shift_right_logical3A_159 = arith.shrui %get3A_149, %shift_right_logical3A_158 : vector<16xi32>
      %swap3A_160 = arith.constant 16 : index
      %swap3A_161 = tpu.vector_load %arg12[%swap3A_160] {strides = array<i32>} : memref<80xi32, #tpu.memory_space<vmem>>, vector<16xi32>,
      %swap3A_162 = vector.shape_cast %swap3A_161 : vector<16xi32> to vector<16xi32>
      %swap3A_163 = vector.shape_cast %shift_right_logical3A_159 : vector<16xi32> to vector<16xi32>
      tpu.vector_store %arg12[%swap3A_160], %swap3A_163 {strides = array<i32>} : memref<80xi32, #tpu.memory_space<vmem>>, vector<16xi32>,
      %get3A_164 = arith.index_cast %add3A_127 : i32 to index
      %get3A_165 = arith.constant 32 : index
      %get3A_166 = tpu.vector_load %arg8[%get3A_164, %get3A_165] {strides = array<i32>} : memref<125x80xi32, #tpu.memory_space<vmem>>, vector<1x16xi32>,
      %get3A_167 = vector.shape_cast %get3A_166 : vector<1x16xi32> to vector<16xi32>
      %and3A_168 = arith.constant 65535 : i32
      %and3A_169 = vector.broadcast %and3A_168 : i32 to vector<16xi32>
      %and3A_170 = arith.andi %get3A_167, %and3A_169 : vector<16xi32>
      %swap3A_171 = arith.constant 32 : index
      %swap3A_172 = tpu.vector_load %arg10[%swap3A_171] {strides = array<i32>} : memref<80xi32, #tpu.memory_space<vmem>>, vector<16xi32>,
      %swap3A_173 = vector.shape_cast %swap3A_172 : vector<16xi32> to vector<16xi32>
      %swap3A_174 = vector.shape_cast %and3A_170 : vector<16xi32> to vector<16xi32>
      tpu.vector_store %arg10[%swap3A_171], %swap3A_174 {strides = array<i32>} : memref<80xi32, #tpu.memory_space<vmem>>, vector<16xi32>,
      %shift_right_logical3A_175 = arith.constant 16 : i32
      %shift_right_logical3A_176 = vector.broadcast %shift_right_logical3A_175 : i32 to vector<16xi32>
      %shift_right_logical3A_177 = arith.shrui %get3A_167, %shift_right_logical3A_176 : vector<16xi32>
      %swap3A_178 = arith.constant 32 : index
      %swap3A_179 = tpu.vector_load %arg12[%swap3A_178] {strides = array<i32>} : memref<80xi32, #tpu.memory_space<vmem>>, vector<16xi32>,
      %swap3A_180 = vector.shape_cast %swap3A_179 : vector<16xi32> to vector<16xi32>
      %swap3A_181 = vector.shape_cast %shift_right_logical3A_177 : vector<16xi32> to vector<16xi32>
      tpu.vector_store %arg12[%swap3A_178], %swap3A_181 {strides = array<i32>} : memref<80xi32, #tpu.memory_space<vmem>>, vector<16xi32>,
      %get3A_182 = arith.index_cast %add3A_127 : i32 to index
      %get3A_183 = arith.constant 48 : index
      %get3A_184 = tpu.vector_load %arg8[%get3A_182, %get3A_183] {strides = array<i32>} : memref<125x80xi32, #tpu.memory_space<vmem>>, vector<1x16xi32>,
      %get3A_185 = vector.shape_cast %get3A_184 : vector<1x16xi32> to vector<16xi32>
      %and3A_186 = arith.constant 65535 : i32
      %and3A_187 = vector.broadcast %and3A_186 : i32 to vector<16xi32>
      %and3A_188 = arith.andi %get3A_185, %and3A_187 : vector<16xi32>
      %swap3A_189 = arith.constant 48 : index
      %swap3A_190 = tpu.vector_load %arg10[%swap3A_189] {strides = array<i32>} : memref<80xi32, #tpu.memory_space<vmem>>, vector<16xi32>,
      %swap3A_191 = vector.shape_cast %swap3A_190 : vector<16xi32> to vector<16xi32>
      %swap3A_192 = vector.shape_cast %and3A_188 : vector<16xi32> to vector<16xi32>
      tpu.vector_store %arg10[%swap3A_189], %swap3A_192 {strides = array<i32>} : memref<80xi32, #tpu.memory_space<vmem>>, vector<16xi32>,
      %shift_right_logical3A_193 = arith.constant 16 : i32
      %shift_right_logical3A_194 = vector.broadcast %shift_right_logical3A_193 : i32 to vector<16xi32>
      %shift_right_logical3A_195 = arith.shrui %get3A_185, %shift_right_logical3A_194 : vector<16xi32>
      %swap3A_196 = arith.constant 48 : index
      %swap3A_197 = tpu.vector_load %arg12[%swap3A_196] {strides = array<i32>} : memref<80xi32, #tpu.memory_space<vmem>>, vector<16xi32>,
      %swap3A_198 = vector.shape_cast %swap3A_197 : vector<16xi32> to vector<16xi32>
      %swap3A_199 = vector.shape_cast %shift_right_logical3A_195 : vector<16xi32> to vector<16xi32>
      tpu.vector_store %arg12[%swap3A_196], %swap3A_199 {strides = array<i32>} : memref<80xi32, #tpu.memory_space<vmem>>, vector<16xi32>,
      %get3A_200 = arith.index_cast %add3A_127 : i32 to index
      %get3A_201 = arith.constant 64 : index
      %get3A_202 = tpu.vector_load %arg8[%get3A_200, %get3A_201] {strides = array<i32>} : memref<125x80xi32, #tpu.memory_space<vmem>>, vector<1x16xi32>,
      %get3A_203 = vector.shape_cast %get3A_202 : vector<1x16xi32> to vector<16xi32>
      %and3A_204 = arith.constant 65535 : i32
      %and3A_205 = vector.broadcast %and3A_204 : i32 to vector<16xi32>
      %and3A_206 = arith.andi %get3A_203, %and3A_205 : vector<16xi32>
      %swap3A_207 = arith.constant 64 : index
      %swap3A_208 = tpu.vector_load %arg10[%swap3A_207] {strides = array<i32>} : memref<80xi32, #tpu.memory_space<vmem>>, vector<16xi32>,
      %swap3A_209 = vector.shape_cast %swap3A_208 : vector<16xi32> to vector<16xi32>
      %swap3A_210 = vector.shape_cast %and3A_206 : vector<16xi32> to vector<16xi32>
      tpu.vector_store %arg10[%swap3A_207], %swap3A_210 {strides = array<i32>} : memref<80xi32, #tpu.memory_space<vmem>>, vector<16xi32>,
      %shift_right_logical3A_211 = arith.constant 16 : i32
      %shift_right_logical3A_212 = vector.broadcast %shift_right_logical3A_211 : i32 to vector<16xi32>
      %shift_right_logical3A_213 = arith.shrui %get3A_203, %shift_right_logical3A_212 : vector<16xi32>
      %swap3A_214 = arith.constant 64 : index
      %swap3A_215 = tpu.vector_load %arg12[%swap3A_214] {strides = array<i32>} : memref<80xi32, #tpu.memory_space<vmem>>, vector<16xi32>,
      %swap3A_216 = vector.shape_cast %swap3A_215 : vector<16xi32> to vector<16xi32>
      %swap3A_217 = vector.shape_cast %shift_right_logical3A_213 : vector<16xi32> to vector<16xi32>
      tpu.vector_store %arg12[%swap3A_214], %swap3A_217 {strides = array<i32>} : memref<80xi32, #tpu.memory_space<vmem>>, vector<16xi32>,
      %dma_start3A_218 = arith.constant 0 : i32
      %dma_start3A_219 = arith.constant 0 : i32
      %dma_start3A_220 = tpu.memref_slice %arg2[%dma_start3A_218, %dma_start3A_219] : memref<10000x128xf32, #tpu.memory_space<hbm>> -> memref<10000x128xf32, #tpu.memory_space<hbm>>
      tpu.enqueue_indirect_dma source(%dma_start3A_220 : memref<10000x128xf32, #tpu.memory_space<hbm>>) target(%arg14 : memref<80x128xf32, #tpu.memory_space<vmem>>) offsets(%arg10 : memref<80xi32, #tpu.memory_space<vmem>>) semaphore(%arg17 : memref<!tpu.dma_semaphore, #tpu.memory_space<semaphore_mem>>)
      %dma_wait3A_221 = arith.constant 0 : i32
      %dma_wait3A_222 = arith.constant 0 : i32
      %dma_wait3A_223 = tpu.memref_slice %arg2[%dma_wait3A_221, %dma_wait3A_222] : memref<10000x128xf32, #tpu.memory_space<hbm>> -> memref<10000x128xf32, #tpu.memory_space<hbm>>
      tpu.wait_indirect_dma semaphore(%arg16 : memref<!tpu.dma_semaphore, #tpu.memory_space<semaphore_mem>>) src(%dma_wait3A_223 : memref<10000x128xf32, #tpu.memory_space<hbm>>) dst(%arg13 : memref<80x128xf32, #tpu.memory_space<vmem>>)
      %dma_start3A_224 = arith.constant 0 : i32
      %dma_start3A_225 = tpu.memref_slice %arg19[%dma_start3A_224] : memref<10240xf32, #tpu.memory_space<vmem_shared>> -> memref<10240xf32, #tpu.memory_space<vmem_shared>>
      tpu.enqueue_indirect_dma source(%arg18 : memref<80xf32, #tpu.memory_space<vmem>>) target(%dma_start3A_225 : memref<10240xf32, #tpu.memory_space<vmem_shared>>) offsets(%arg11 : memref<80xi32, #tpu.memory_space<vmem>>) semaphore(%arg16 : memref<!tpu.dma_semaphore, #tpu.memory_space<semaphore_mem>>) {add = true}
      "tpu.region"() ({
        %run_scoped3A = tpu.sem_alloc : memref<!tpu.dma_semaphore, #tpu.memory_space<semaphore_mem>>
        %dma_start3A_331 = arith.constant 0 : i32
        %dma_start3A_332 = arith.constant 0 : i32
        %dma_start3A_333 = tpu.memref_slice %arg15[%dma_start3A_331, %dma_start3A_332] : memref<10240x128xf32, #tpu.memory_space<vmem_shared>> -> memref<10240x128xf32, #tpu.memory_space<vmem_shared>>
        tpu.enqueue_indirect_dma source(%arg13 : memref<80x128xf32, #tpu.memory_space<vmem>>) target(%dma_start3A_333 : memref<10240x128xf32, #tpu.memory_space<vmem_shared>>) offsets(%arg11 : memref<80xi32, #tpu.memory_space<vmem>>) semaphore(%run_scoped3A : memref<!tpu.dma_semaphore, #tpu.memory_space<semaphore_mem>>) {add = true}
        %dma_wait3A_334 = arith.constant 0 : i32
        %dma_wait3A_335 = arith.constant 0 : i32
        %dma_wait3A_336 = tpu.memref_slice %arg15[%dma_wait3A_334, %dma_wait3A_335] : memref<10240x128xf32, #tpu.memory_space<vmem_shared>> -> memref<10240x128xf32, #tpu.memory_space<vmem_shared>>
        tpu.wait_indirect_dma semaphore(%run_scoped3A : memref<!tpu.dma_semaphore, #tpu.memory_space<semaphore_mem>>) src(%arg13 : memref<80x128xf32, #tpu.memory_space<vmem>>) dst(%dma_wait3A_336 : memref<10240x128xf32, #tpu.memory_space<vmem_shared>>)
        tpu.yield
      }) : () -> ()
      %dma_wait3A_226 = arith.constant 0 : i32
      %dma_wait3A_227 = tpu.memref_slice %arg19[%dma_wait3A_226] : memref<10240xf32, #tpu.memory_space<vmem_shared>> -> memref<10240xf32, #tpu.memory_space<vmem_shared>>
      tpu.wait_indirect_dma semaphore(%arg16 : memref<!tpu.dma_semaphore, #tpu.memory_space<semaphore_mem>>) src(%arg18 : memref<80xf32, #tpu.memory_space<vmem>>) dst(%dma_wait3A_227 : memref<10240xf32, #tpu.memory_space<vmem_shared>>)
      %add3A_228 = arith.constant 2 : i32
      %add3A_229 = arith.addi %mul3A_125, %add3A_228 : i32
      %get3A_230 = arith.index_cast %add3A_229 : i32 to index
      %get3A_231 = arith.constant 0 : index
      %get3A_232 = tpu.vector_load %arg8[%get3A_230, %get3A_231] {strides = array<i32>} : memref<125x80xi32, #tpu.memory_space<vmem>>, vector<1x16xi32>,
      %get3A_233 = vector.shape_cast %get3A_232 : vector<1x16xi32> to vector<16xi32>
      %and3A_234 = arith.constant 65535 : i32
      %and3A_235 = vector.broadcast %and3A_234 : i32 to vector<16xi32>
      %and3A_236 = arith.andi %get3A_233, %and3A_235 : vector<16xi32>
      %swap3A_237 = arith.constant 0 : index
      %swap3A_238 = tpu.vector_load %arg9[%swap3A_237] {strides = array<i32>} : memref<80xi32, #tpu.memory_space<vmem>>, vector<16xi32>,
      %swap3A_239 = vector.shape_cast %swap3A_238 : vector<16xi32> to vector<16xi32>
      %swap3A_240 = vector.shape_cast %and3A_236 : vector<16xi32> to vector<16xi32>
      tpu.vector_store %arg9[%swap3A_237], %swap3A_240 {strides = array<i32>} : memref<80xi32, #tpu.memory_space<vmem>>, vector<16xi32>,
      %shift_right_logical3A_241 = arith.constant 16 : i32
      %shift_right_logical3A_242 = vector.broadcast %shift_right_logical3A_241 : i32 to vector<16xi32>
      %shift_right_logical3A_243 = arith.shrui %get3A_233, %shift_right_logical3A_242 : vector<16xi32>
      %swap3A_244 = arith.constant 0 : index
      %swap3A_245 = tpu.vector_load %arg11[%swap3A_244] {strides = array<i32>} : memref<80xi32, #tpu.memory_space<vmem>>, vector<16xi32>,
      %swap3A_246 = vector.shape_cast %swap3A_245 : vector<16xi32> to vector<16xi32>
      %swap3A_247 = vector.shape_cast %shift_right_logical3A_243 : vector<16xi32> to vector<16xi32>
      tpu.vector_store %arg11[%swap3A_244], %swap3A_247 {strides = array<i32>} : memref<80xi32, #tpu.memory_space<vmem>>, vector<16xi32>,
      %get3A_248 = arith.index_cast %add3A_229 : i32 to index
      %get3A_249 = arith.constant 16 : index
      %get3A_250 = tpu.vector_load %arg8[%get3A_248, %get3A_249] {strides = array<i32>} : memref<125x80xi32, #tpu.memory_space<vmem>>, vector<1x16xi32>,
      %get3A_251 = vector.shape_cast %get3A_250 : vector<1x16xi32> to vector<16xi32>
      %and3A_252 = arith.constant 65535 : i32
      %and3A_253 = vector.broadcast %and3A_252 : i32 to vector<16xi32>
      %and3A_254 = arith.andi %get3A_251, %and3A_253 : vector<16xi32>
      %swap3A_255 = arith.constant 16 : index
      %swap3A_256 = tpu.vector_load %arg9[%swap3A_255] {strides = array<i32>} : memref<80xi32, #tpu.memory_space<vmem>>, vector<16xi32>,
      %swap3A_257 = vector.shape_cast %swap3A_256 : vector<16xi32> to vector<16xi32>
      %swap3A_258 = vector.shape_cast %and3A_254 : vector<16xi32> to vector<16xi32>
      tpu.vector_store %arg9[%swap3A_255], %swap3A_258 {strides = array<i32>} : memref<80xi32, #tpu.memory_space<vmem>>, vector<16xi32>,
      %shift_right_logical3A_259 = arith.constant 16 : i32
      %shift_right_logical3A_260 = vector.broadcast %shift_right_logical3A_259 : i32 to vector<16xi32>
      %shift_right_logical3A_261 = arith.shrui %get3A_251, %shift_right_logical3A_260 : vector<16xi32>
      %swap3A_262 = arith.constant 16 : index
      %swap3A_263 = tpu.vector_load %arg11[%swap3A_262] {strides = array<i32>} : memref<80xi32, #tpu.memory_space<vmem>>, vector<16xi32>,
      %swap3A_264 = vector.shape_cast %swap3A_263 : vector<16xi32> to vector<16xi32>
      %swap3A_265 = vector.shape_cast %shift_right_logical3A_261 : vector<16xi32> to vector<16xi32>
      tpu.vector_store %arg11[%swap3A_262], %swap3A_265 {strides = array<i32>} : memref<80xi32, #tpu.memory_space<vmem>>, vector<16xi32>,
      %get3A_266 = arith.index_cast %add3A_229 : i32 to index
      %get3A_267 = arith.constant 32 : index
      %get3A_268 = tpu.vector_load %arg8[%get3A_266, %get3A_267] {strides = array<i32>} : memref<125x80xi32, #tpu.memory_space<vmem>>, vector<1x16xi32>,
      %get3A_269 = vector.shape_cast %get3A_268 : vector<1x16xi32> to vector<16xi32>
      %and3A_270 = arith.constant 65535 : i32
      %and3A_271 = vector.broadcast %and3A_270 : i32 to vector<16xi32>
      %and3A_272 = arith.andi %get3A_269, %and3A_271 : vector<16xi32>
      %swap3A_273 = arith.constant 32 : index
      %swap3A_274 = tpu.vector_load %arg9[%swap3A_273] {strides = array<i32>} : memref<80xi32, #tpu.memory_space<vmem>>, vector<16xi32>,
      %swap3A_275 = vector.shape_cast %swap3A_274 : vector<16xi32> to vector<16xi32>
      %swap3A_276 = vector.shape_cast %and3A_272 : vector<16xi32> to vector<16xi32>
      tpu.vector_store %arg9[%swap3A_273], %swap3A_276 {strides = array<i32>} : memref<80xi32, #tpu.memory_space<vmem>>, vector<16xi32>,
      %shift_right_logical3A_277 = arith.constant 16 : i32
      %shift_right_logical3A_278 = vector.broadcast %shift_right_logical3A_277 : i32 to vector<16xi32>
      %shift_right_logical3A_279 = arith.shrui %get3A_269, %shift_right_logical3A_278 : vector<16xi32>
      %swap3A_280 = arith.constant 32 : index
      %swap3A_281 = tpu.vector_load %arg11[%swap3A_280] {strides = array<i32>} : memref<80xi32, #tpu.memory_space<vmem>>, vector<16xi32>,
      %swap3A_282 = vector.shape_cast %swap3A_281 : vector<16xi32> to vector<16xi32>
      %swap3A_283 = vector.shape_cast %shift_right_logical3A_279 : vector<16xi32> to vector<16xi32>
      tpu.vector_store %arg11[%swap3A_280], %swap3A_283 {strides = array<i32>} : memref<80xi32, #tpu.memory_space<vmem>>, vector<16xi32>,
      %get3A_284 = arith.index_cast %add3A_229 : i32 to index
      %get3A_285 = arith.constant 48 : index
      %get3A_286 = tpu.vector_load %arg8[%get3A_284, %get3A_285] {strides = array<i32>} : memref<125x80xi32, #tpu.memory_space<vmem>>, vector<1x16xi32>,
      %get3A_287 = vector.shape_cast %get3A_286 : vector<1x16xi32> to vector<16xi32>
      %and3A_288 = arith.constant 65535 : i32
      %and3A_289 = vector.broadcast %and3A_288 : i32 to vector<16xi32>
      %and3A_290 = arith.andi %get3A_287, %and3A_289 : vector<16xi32>
      %swap3A_291 = arith.constant 48 : index
      %swap3A_292 = tpu.vector_load %arg9[%swap3A_291] {strides = array<i32>} : memref<80xi32, #tpu.memory_space<vmem>>, vector<16xi32>,
      %swap3A_293 = vector.shape_cast %swap3A_292 : vector<16xi32> to vector<16xi32>
      %swap3A_294 = vector.shape_cast %and3A_290 : vector<16xi32> to vector<16xi32>
      tpu.vector_store %arg9[%swap3A_291], %swap3A_294 {strides = array<i32>} : memref<80xi32, #tpu.memory_space<vmem>>, vector<16xi32>,
      %shift_right_logical3A_295 = arith.constant 16 : i32
      %shift_right_logical3A_296 = vector.broadcast %shift_right_logical3A_295 : i32 to vector<16xi32>
      %shift_right_logical3A_297 = arith.shrui %get3A_287, %shift_right_logical3A_296 : vector<16xi32>
      %swap3A_298 = arith.constant 48 : index
      %swap3A_299 = tpu.vector_load %arg11[%swap3A_298] {strides = array<i32>} : memref<80xi32, #tpu.memory_space<vmem>>, vector<16xi32>,
      %swap3A_300 = vector.shape_cast %swap3A_299 : vector<16xi32> to vector<16xi32>
      %swap3A_301 = vector.shape_cast %shift_right_logical3A_297 : vector<16xi32> to vector<16xi32>
      tpu.vector_store %arg11[%swap3A_298], %swap3A_301 {strides = array<i32>} : memref<80xi32, #tpu.memory_space<vmem>>, vector<16xi32>,
      %get3A_302 = arith.index_cast %add3A_229 : i32 to index
      %get3A_303 = arith.constant 64 : index
      %get3A_304 = tpu.vector_load %arg8[%get3A_302, %get3A_303] {strides = array<i32>} : memref<125x80xi32, #tpu.memory_space<vmem>>, vector<1x16xi32>,
      %get3A_305 = vector.shape_cast %get3A_304 : vector<1x16xi32> to vector<16xi32>
      %and3A_306 = arith.constant 65535 : i32
      %and3A_307 = vector.broadcast %and3A_306 : i32 to vector<16xi32>
      %and3A_308 = arith.andi %get3A_305, %and3A_307 : vector<16xi32>
      %swap3A_309 = arith.constant 64 : index
      %swap3A_310 = tpu.vector_load %arg9[%swap3A_309] {strides = array<i32>} : memref<80xi32, #tpu.memory_space<vmem>>, vector<16xi32>,
      %swap3A_311 = vector.shape_cast %swap3A_310 : vector<16xi32> to vector<16xi32>
      %swap3A_312 = vector.shape_cast %and3A_308 : vector<16xi32> to vector<16xi32>
      tpu.vector_store %arg9[%swap3A_309], %swap3A_312 {strides = array<i32>} : memref<80xi32, #tpu.memory_space<vmem>>, vector<16xi32>,
      %shift_right_logical3A_313 = arith.constant 16 : i32
      %shift_right_logical3A_314 = vector.broadcast %shift_right_logical3A_313 : i32 to vector<16xi32>
      %shift_right_logical3A_315 = arith.shrui %get3A_305, %shift_right_logical3A_314 : vector<16xi32>
      %swap3A_316 = arith.constant 64 : index
      %swap3A_317 = tpu.vector_load %arg11[%swap3A_316] {strides = array<i32>} : memref<80xi32, #tpu.memory_space<vmem>>, vector<16xi32>,
      %swap3A_318 = vector.shape_cast %swap3A_317 : vector<16xi32> to vector<16xi32>
      %swap3A_319 = vector.shape_cast %shift_right_logical3A_315 : vector<16xi32> to vector<16xi32>
      tpu.vector_store %arg11[%swap3A_316], %swap3A_319 {strides = array<i32>} : memref<80xi32, #tpu.memory_space<vmem>>, vector<16xi32>,
      %dma_start3A_320 = arith.constant 0 : i32
      %dma_start3A_321 = arith.constant 0 : i32
      %dma_start3A_322 = tpu.memref_slice %arg2[%dma_start3A_320, %dma_start3A_321] : memref<10000x128xf32, #tpu.memory_space<hbm>> -> memref<10000x128xf32, #tpu.memory_space<hbm>>
      tpu.enqueue_indirect_dma source(%dma_start3A_322 : memref<10000x128xf32, #tpu.memory_space<hbm>>) target(%arg13 : memref<80x128xf32, #tpu.memory_space<vmem>>) offsets(%arg9 : memref<80xi32, #tpu.memory_space<vmem>>) semaphore(%arg16 : memref<!tpu.dma_semaphore, #tpu.memory_space<semaphore_mem>>)
      %dma_wait3A_323 = arith.constant 0 : i32
      %dma_wait3A_324 = arith.constant 0 : i32
      %dma_wait3A_325 = tpu.memref_slice %arg2[%dma_wait3A_323, %dma_wait3A_324] : memref<10000x128xf32, #tpu.memory_space<hbm>> -> memref<10000x128xf32, #tpu.memory_space<hbm>>
      tpu.wait_indirect_dma semaphore(%arg17 : memref<!tpu.dma_semaphore, #tpu.memory_space<semaphore_mem>>) src(%dma_wait3A_325 : memref<10000x128xf32, #tpu.memory_space<hbm>>) dst(%arg14 : memref<80x128xf32, #tpu.memory_space<vmem>>)
      %dma_start3A_326 = arith.constant 0 : i32
      %dma_start3A_327 = tpu.memref_slice %arg19[%dma_start3A_326] : memref<10240xf32, #tpu.memory_space<vmem_shared>> -> memref<10240xf32, #tpu.memory_space<vmem_shared>>
      tpu.enqueue_indirect_dma source(%arg18 : memref<80xf32, #tpu.memory_space<vmem>>) target(%dma_start3A_327 : memref<10240xf32, #tpu.memory_space<vmem_shared>>) offsets(%arg12 : memref<80xi32, #tpu.memory_space<vmem>>) semaphore(%arg17 : memref<!tpu.dma_semaphore, #tpu.memory_space<semaphore_mem>>) {add = true}
      "tpu.region"() ({
        %run_scoped3A = tpu.sem_alloc : memref<!tpu.dma_semaphore, #tpu.memory_space<semaphore_mem>>
        %dma_start3A_331 = arith.constant 0 : i32
        %dma_start3A_332 = arith.constant 0 : i32
        %dma_start3A_333 = tpu.memref_slice %arg15[%dma_start3A_331, %dma_start3A_332] : memref<10240x128xf32, #tpu.memory_space<vmem_shared>> -> memref<10240x128xf32, #tpu.memory_space<vmem_shared>>
        tpu.enqueue_indirect_dma source(%arg14 : memref<80x128xf32, #tpu.memory_space<vmem>>) target(%dma_start3A_333 : memref<10240x128xf32, #tpu.memory_space<vmem_shared>>) offsets(%arg12 : memref<80xi32, #tpu.memory_space<vmem>>) semaphore(%run_scoped3A : memref<!tpu.dma_semaphore, #tpu.memory_space<semaphore_mem>>) {add = true}
        %dma_wait3A_334 = arith.constant 0 : i32
        %dma_wait3A_335 = arith.constant 0 : i32
        %dma_wait3A_336 = tpu.memref_slice %arg15[%dma_wait3A_334, %dma_wait3A_335] : memref<10240x128xf32, #tpu.memory_space<vmem_shared>> -> memref<10240x128xf32, #tpu.memory_space<vmem_shared>>
        tpu.wait_indirect_dma semaphore(%run_scoped3A : memref<!tpu.dma_semaphore, #tpu.memory_space<semaphore_mem>>) src(%arg14 : memref<80x128xf32, #tpu.memory_space<vmem>>) dst(%dma_wait3A_336 : memref<10240x128xf32, #tpu.memory_space<vmem_shared>>)
        tpu.yield
      }) : () -> ()
      %dma_wait3A_328 = arith.constant 0 : i32
      %dma_wait3A_329 = tpu.memref_slice %arg19[%dma_wait3A_328] : memref<10240xf32, #tpu.memory_space<vmem_shared>> -> memref<10240xf32, #tpu.memory_space<vmem_shared>>
      tpu.wait_indirect_dma semaphore(%arg17 : memref<!tpu.dma_semaphore, #tpu.memory_space<semaphore_mem>>) src(%arg18 : memref<80xf32, #tpu.memory_space<vmem>>) dst(%dma_wait3A_329 : memref<10240xf32, #tpu.memory_space<vmem_shared>>)
      %scan3A_330 = arith.constant 0 : i32
      scf.yield %scan3A_330 : i32
    }
    %scan3A_108 = arith.constant 62 : i32
    %dma_wait3A = arith.constant 0 : i32
    %dma_wait3A_109 = arith.constant 0 : i32
    %dma_wait3A_110 = tpu.memref_slice %arg2[%dma_wait3A, %dma_wait3A_109] : memref<10000x128xf32, #tpu.memory_space<hbm>> -> memref<10000x128xf32, #tpu.memory_space<hbm>>
    tpu.wait_indirect_dma semaphore(%arg16 : memref<!tpu.dma_semaphore, #tpu.memory_space<semaphore_mem>>) src(%dma_wait3A_110 : memref<10000x128xf32, #tpu.memory_space<hbm>>) dst(%arg13 : memref<80x128xf32, #tpu.memory_space<vmem>>)
    %dma_start3A_111 = arith.constant 0 : i32
    %dma_start3A_112 = tpu.memref_slice %arg19[%dma_start3A_111] : memref<10240xf32, #tpu.memory_space<vmem_shared>> -> memref<10240xf32, #tpu.memory_space<vmem_shared>>
    tpu.enqueue_indirect_dma source(%arg18 : memref<80xf32, #tpu.memory_space<vmem>>) target(%dma_start3A_112 : memref<10240xf32, #tpu.memory_space<vmem_shared>>) offsets(%arg11 : memref<80xi32, #tpu.memory_space<vmem>>) semaphore(%arg16 : memref<!tpu.dma_semaphore, #tpu.memory_space<semaphore_mem>>) {add = true}
    "tpu.region"() ({
      %run_scoped3A = tpu.sem_alloc : memref<!tpu.dma_semaphore, #tpu.memory_space<semaphore_mem>>
      %dma_start3A_122 = arith.constant 0 : i32
      %dma_start3A_123 = arith.constant 0 : i32
      %dma_start3A_124 = tpu.memref_slice %arg15[%dma_start3A_122, %dma_start3A_123] : memref<10240x128xf32, #tpu.memory_space<vmem_shared>> -> memref<10240x128xf32, #tpu.memory_space<vmem_shared>>
      tpu.enqueue_indirect_dma source(%arg13 : memref<80x128xf32, #tpu.memory_space<vmem>>) target(%dma_start3A_124 : memref<10240x128xf32, #tpu.memory_space<vmem_shared>>) offsets(%arg11 : memref<80xi32, #tpu.memory_space<vmem>>) semaphore(%run_scoped3A : memref<!tpu.dma_semaphore, #tpu.memory_space<semaphore_mem>>) {add = true}
      %dma_wait3A_125 = arith.constant 0 : i32
      %dma_wait3A_126 = arith.constant 0 : i32
      %dma_wait3A_127 = tpu.memref_slice %arg15[%dma_wait3A_125, %dma_wait3A_126] : memref<10240x128xf32, #tpu.memory_space<vmem_shared>> -> memref<10240x128xf32, #tpu.memory_space<vmem_shared>>
      tpu.wait_indirect_dma semaphore(%run_scoped3A : memref<!tpu.dma_semaphore, #tpu.memory_space<semaphore_mem>>) src(%arg13 : memref<80x128xf32, #tpu.memory_space<vmem>>) dst(%dma_wait3A_127 : memref<10240x128xf32, #tpu.memory_space<vmem_shared>>)
      tpu.yield
    }) : () -> ()
    %dma_wait3A_113 = arith.constant 0 : i32
    %dma_wait3A_114 = tpu.memref_slice %arg19[%dma_wait3A_113] : memref<10240xf32, #tpu.memory_space<vmem_shared>> -> memref<10240xf32, #tpu.memory_space<vmem_shared>>
    tpu.wait_indirect_dma semaphore(%arg16 : memref<!tpu.dma_semaphore, #tpu.memory_space<semaphore_mem>>) src(%arg18 : memref<80xf32, #tpu.memory_space<vmem>>) dst(%dma_wait3A_114 : memref<10240xf32, #tpu.memory_space<vmem_shared>>)
    %barrier3A_115 = arith.constant 0 : index
    tpu.barrier barrier_id(%barrier3A_115)
    %mul3A_116 = arith.constant 640 : i32
    %mul3A_117 = arith.muli %arg1, %mul3A_116 : i32
    %mul3A_118 = arith.constant 640 : i32
    %mul3A_119 = arith.muli %arg1, %mul3A_118 : i32
    "tpu.region"() ({
      %run_scoped3A = tpu.sem_alloc : memref<!tpu.dma_semaphore, #tpu.memory_space<semaphore_mem>>
      %dma_start3A_122 = arith.constant 0 : i32
      %dma_start3A_123 = tpu.memref_slice %arg6[%arg0, %mul3A_119, %dma_start3A_122] : memref<2x10240x128xf32, #tpu.memory_space<hbm>> -> memref<1x640x128xf32, #tpu.memory_space<hbm>>
      %dma_start3A_124 = tpu.memref_squeeze %dma_start3A_123 : memref<1x640x128xf32, #tpu.memory_space<hbm>> -> memref<640x128xf32, #tpu.memory_space<hbm>>
      %dma_start3A_125 = arith.constant 0 : i32
      %dma_start3A_126 = tpu.memref_slice %arg15[%mul3A_117, %dma_start3A_125] : memref<10240x128xf32, #tpu.memory_space<vmem_shared>> -> memref<640x128xf32, #tpu.memory_space<vmem_shared>>
      tpu.enqueue_dma source(%dma_start3A_126 : memref<640x128xf32, #tpu.memory_space<vmem_shared>>) target(%dma_start3A_124 : memref<640x128xf32, #tpu.memory_space<hbm>>) target_semaphore(%run_scoped3A : memref<!tpu.dma_semaphore, #tpu.memory_space<semaphore_mem>>)
      %dma_wait3A_127 = arith.constant 0 : i32
      %dma_wait3A_128 = tpu.memref_slice %arg6[%arg0, %mul3A_119, %dma_wait3A_127] : memref<2x10240x128xf32, #tpu.memory_space<hbm>> -> memref<1x640x128xf32, #tpu.memory_space<hbm>>
      %dma_wait3A_129 = tpu.memref_squeeze %dma_wait3A_128 : memref<1x640x128xf32, #tpu.memory_space<hbm>> -> memref<640x128xf32, #tpu.memory_space<hbm>>
      %dma_wait3A_130 = arith.constant 0 : i32
      %dma_wait3A_131 = tpu.memref_slice %arg15[%mul3A_117, %dma_wait3A_130] : memref<10240x128xf32, #tpu.memory_space<vmem_shared>> -> memref<640x128xf32, #tpu.memory_space<vmem_shared>>
      tpu.wait_dma2 semaphore(%run_scoped3A : memref<!tpu.dma_semaphore, #tpu.memory_space<semaphore_mem>>) src(%dma_wait3A_131 : memref<640x128xf32, #tpu.memory_space<vmem_shared>>) dst(%dma_wait3A_129 : memref<640x128xf32, #tpu.memory_space<hbm>>)
      tpu.yield
    }) : () -> ()
    %eq3A = arith.constant 0 : i32
    %eq3A_120 = arith.cmpi eq, %arg1, %eq3A : i32
    %convert_element_type3A = arith.extui %eq3A_120 : i1 to i32
    %cond3A = arith.constant 0 : i32
    %cond3A_121 = arith.cmpi ne, %convert_element_type3A, %cond3A : i32
    scf.if %cond3A_121 {
      "tpu.region"() ({
        %run_scoped3A = tpu.sem_alloc : memref<!tpu.dma_semaphore, #tpu.memory_space<semaphore_mem>>
        %dma_start3A_122 = arith.constant 0 : i32
        %dma_start3A_123 = tpu.memref_slice %arg7[%arg0, %dma_start3A_122] : memref<2x10240xf32, #tpu.memory_space<hbm>> -> memref<1x10240xf32, #tpu.memory_space<hbm>>
        %dma_start3A_124 = tpu.memref_squeeze %dma_start3A_123 : memref<1x10240xf32, #tpu.memory_space<hbm>> -> memref<10240xf32, #tpu.memory_space<hbm>>
        tpu.enqueue_dma source(%arg19 : memref<10240xf32, #tpu.memory_space<vmem_shared>>) target(%dma_start3A_124 : memref<10240xf32, #tpu.memory_space<hbm>>) target_semaphore(%run_scoped3A : memref<!tpu.dma_semaphore, #tpu.memory_space<semaphore_mem>>)
        %dma_wait3A_125 = arith.constant 0 : i32
        %dma_wait3A_126 = tpu.memref_slice %arg7[%arg0, %dma_wait3A_125] : memref<2x10240xf32, #tpu.memory_space<hbm>> -> memref<1x10240xf32, #tpu.memory_space<hbm>>
        %dma_wait3A_127 = tpu.memref_squeeze %dma_wait3A_126 : memref<1x10240xf32, #tpu.memory_space<hbm>> -> memref<10240xf32, #tpu.memory_space<hbm>>
        tpu.wait_dma2 semaphore(%run_scoped3A : memref<!tpu.dma_semaphore, #tpu.memory_space<semaphore_mem>>) src(%arg19 : memref<10240xf32, #tpu.memory_space<vmem_shared>>) dst(%dma_wait3A_127 : memref<10240xf32, #tpu.memory_space<hbm>>)
        tpu.yield
      }) : () -> ()
    } else {
    }
    return
  }
}

#map = affine_map<(d0, d1) -> (0, 0)>
#map1 = affine_map<(d0, d1) -> (0, 0, 0)>
#map2 = affine_map<(d0, d1) -> (0)>
module attributes {stable_mosaic.version = 14 : i64} {
  func.func @body(%arg0: i32, %arg1: i32, %arg2: memref<10000x128xf32, #tpu.memory_space<hbm>>, %arg3: memref<32x125x80xi32, #tpu.memory_space<hbm>>, %arg4: memref<640x128xf32, #tpu.memory_space<hbm>>, %arg5: memref<80xf32, #tpu.memory_space<hbm>>, %arg6: memref<2x10240x128xf32, #tpu.memory_space<hbm>>, %arg7: memref<125x80xi32, #tpu.memory_space<vmem>>, %arg8: memref<80xi32, #tpu.memory_space<vmem>>, %arg9: memref<80xi32, #tpu.memory_space<vmem>>, %arg10: memref<80xi32, #tpu.memory_space<vmem>>, %arg11: memref<80xi32, #tpu.memory_space<vmem>>, %arg12: memref<80x128xf32, #tpu.memory_space<vmem>>, %arg13: memref<80x128xf32, #tpu.memory_space<vmem>>, %arg14: memref<10240x128xf32, #tpu.memory_space<vmem_shared>>, %arg15: memref<!tpu.dma_semaphore, #tpu.memory_space<semaphore_mem>>, %arg16: memref<!tpu.dma_semaphore, #tpu.memory_space<semaphore_mem>>) attributes {dimension_semantics = [#tpu.dimension_semantics<core_parallel>, #tpu.dimension_semantics<subcore_parallel>], iteration_bounds = array<i64: 2, 16>, scalar_prefetch = 0 : i64, scratch_operands = 10 : i64, tpu.core_type = #tpu.core_type<sc_vector_subcore>, window_params = [{transform_indices = #map}, {transform_indices = #map1}, {transform_indices = #map}, {transform_indices = #map2}, {transform_indices = #map1}]} {
    %mul3A = arith.constant 16 : i32
    %mul3A_0 = arith.muli %arg0, %mul3A : i32
    %add3A = arith.addi %mul3A_0, %arg1 : i32
    %mul3A_1 = arith.constant 640 : i32
    %mul3A_2 = arith.muli %arg1, %mul3A_1 : i32
    "tpu.region"() ({
      %run_scoped3A = tpu.sem_alloc : memref<!tpu.dma_semaphore, #tpu.memory_space<semaphore_mem>>
      %dma_start3A_109 = arith.constant 0 : i32
      %dma_start3A_110 = tpu.memref_slice %arg14[%mul3A_2, %dma_start3A_109] : memref<10240x128xf32, #tpu.memory_space<vmem_shared>> -> memref<640x128xf32, #tpu.memory_space<vmem_shared>>
      tpu.enqueue_dma source(%arg4 : memref<640x128xf32, #tpu.memory_space<hbm>>) target(%dma_start3A_110 : memref<640x128xf32, #tpu.memory_space<vmem_shared>>) target_semaphore(%run_scoped3A : memref<!tpu.dma_semaphore, #tpu.memory_space<semaphore_mem>>)
      %dma_wait3A_111 = arith.constant 0 : i32
      %dma_wait3A_112 = tpu.memref_slice %arg14[%mul3A_2, %dma_wait3A_111] : memref<10240x128xf32, #tpu.memory_space<vmem_shared>> -> memref<640x128xf32, #tpu.memory_space<vmem_shared>>
      tpu.wait_dma2 semaphore(%run_scoped3A : memref<!tpu.dma_semaphore, #tpu.memory_space<semaphore_mem>>) src(%arg4 : memref<640x128xf32, #tpu.memory_space<hbm>>) dst(%dma_wait3A_112 : memref<640x128xf32, #tpu.memory_space<vmem_shared>>)
      tpu.yield
    }) : () -> ()
    "tpu.region"() ({
      %run_scoped3A = tpu.sem_alloc : memref<!tpu.dma_semaphore, #tpu.memory_space<semaphore_mem>>
      %dma_start3A_109 = arith.constant 0 : i32
      %dma_start3A_110 = arith.constant 0 : i32
      %dma_start3A_111 = tpu.memref_slice %arg3[%add3A, %dma_start3A_109, %dma_start3A_110] : memref<32x125x80xi32, #tpu.memory_space<hbm>> -> memref<1x125x80xi32, #tpu.memory_space<hbm>>
      %dma_start3A_112 = tpu.memref_squeeze %dma_start3A_111 : memref<1x125x80xi32, #tpu.memory_space<hbm>> -> memref<125x80xi32, #tpu.memory_space<hbm>>
      %dma_start3A_113 = arith.constant 0 : i32
      %dma_start3A_114 = arith.constant 0 : i32
      %dma_start3A_115 = tpu.memref_slice %arg3[%add3A, %dma_start3A_113, %dma_start3A_114] : memref<32x125x80xi32, #tpu.memory_space<hbm>> -> memref<1x125x80xi32, #tpu.memory_space<hbm>>
      %dma_start3A_116 = tpu.memref_squeeze %dma_start3A_115 : memref<1x125x80xi32, #tpu.memory_space<hbm>> -> memref<125x80xi32, #tpu.memory_space<hbm>>
      tpu.enqueue_dma source(%dma_start3A_116 : memref<125x80xi32, #tpu.memory_space<hbm>>) target(%arg7 : memref<125x80xi32, #tpu.memory_space<vmem>>) target_semaphore(%run_scoped3A : memref<!tpu.dma_semaphore, #tpu.memory_space<semaphore_mem>>)
      %dma_wait3A_117 = arith.constant 0 : i32
      %dma_wait3A_118 = arith.constant 0 : i32
      %dma_wait3A_119 = tpu.memref_slice %arg3[%add3A, %dma_wait3A_117, %dma_wait3A_118] : memref<32x125x80xi32, #tpu.memory_space<hbm>> -> memref<1x125x80xi32, #tpu.memory_space<hbm>>
      %dma_wait3A_120 = tpu.memref_squeeze %dma_wait3A_119 : memref<1x125x80xi32, #tpu.memory_space<hbm>> -> memref<125x80xi32, #tpu.memory_space<hbm>>
      %dma_wait3A_121 = arith.constant 0 : i32
      %dma_wait3A_122 = arith.constant 0 : i32
      %dma_wait3A_123 = tpu.memref_slice %arg3[%add3A, %dma_wait3A_121, %dma_wait3A_122] : memref<32x125x80xi32, #tpu.memory_space<hbm>> -> memref<1x125x80xi32, #tpu.memory_space<hbm>>
      %dma_wait3A_124 = tpu.memref_squeeze %dma_wait3A_123 : memref<1x125x80xi32, #tpu.memory_space<hbm>> -> memref<125x80xi32, #tpu.memory_space<hbm>>
      tpu.wait_dma2 semaphore(%run_scoped3A : memref<!tpu.dma_semaphore, #tpu.memory_space<semaphore_mem>>) src(%dma_wait3A_124 : memref<125x80xi32, #tpu.memory_space<hbm>>) dst(%arg7 : memref<125x80xi32, #tpu.memory_space<vmem>>)
      tpu.yield
    }) : () -> ()
    %barrier3A = arith.constant 0 : index
    tpu.barrier barrier_id(%barrier3A)
    %get3A = arith.constant 0 : i32
    %get3A_3 = arith.index_cast %get3A : i32 to index
    %get3A_4 = arith.constant 0 : index
    %get3A_5 = tpu.vector_load %arg7[%get3A_3, %get3A_4] {strides = array<i32>} : memref<125x80xi32, #tpu.memory_space<vmem>>, vector<1x16xi32>,
    %get3A_6 = vector.shape_cast %get3A_5 : vector<1x16xi32> to vector<16xi32>
    %and3A = arith.constant 65535 : i32
    %and3A_7 = vector.broadcast %and3A : i32 to vector<16xi32>
    %and3A_8 = arith.andi %get3A_6, %and3A_7 : vector<16xi32>
    %swap3A = arith.constant 0 : index
    %swap3A_9 = tpu.vector_load %arg8[%swap3A] {strides = array<i32>} : memref<80xi32, #tpu.memory_space<vmem>>, vector<16xi32>,
    %swap3A_10 = vector.shape_cast %swap3A_9 : vector<16xi32> to vector<16xi32>
    %swap3A_11 = vector.shape_cast %and3A_8 : vector<16xi32> to vector<16xi32>
    tpu.vector_store %arg8[%swap3A], %swap3A_11 {strides = array<i32>} : memref<80xi32, #tpu.memory_space<vmem>>, vector<16xi32>,
    %shift_right_logical3A = arith.constant 16 : i32
    %shift_right_logical3A_12 = vector.broadcast %shift_right_logical3A : i32 to vector<16xi32>
    %shift_right_logical3A_13 = arith.shrui %get3A_6, %shift_right_logical3A_12 : vector<16xi32>
    %swap3A_14 = arith.constant 0 : index
    %swap3A_15 = tpu.vector_load %arg10[%swap3A_14] {strides = array<i32>} : memref<80xi32, #tpu.memory_space<vmem>>, vector<16xi32>,
    %swap3A_16 = vector.shape_cast %swap3A_15 : vector<16xi32> to vector<16xi32>
    %swap3A_17 = vector.shape_cast %shift_right_logical3A_13 : vector<16xi32> to vector<16xi32>
    tpu.vector_store %arg10[%swap3A_14], %swap3A_17 {strides = array<i32>} : memref<80xi32, #tpu.memory_space<vmem>>, vector<16xi32>,
    %get3A_18 = arith.constant 0 : i32
    %get3A_19 = arith.index_cast %get3A_18 : i32 to index
    %get3A_20 = arith.constant 16 : index
    %get3A_21 = tpu.vector_load %arg7[%get3A_19, %get3A_20] {strides = array<i32>} : memref<125x80xi32, #tpu.memory_space<vmem>>, vector<1x16xi32>,
    %get3A_22 = vector.shape_cast %get3A_21 : vector<1x16xi32> to vector<16xi32>
    %and3A_23 = arith.constant 65535 : i32
    %and3A_24 = vector.broadcast %and3A_23 : i32 to vector<16xi32>
    %and3A_25 = arith.andi %get3A_22, %and3A_24 : vector<16xi32>
    %swap3A_26 = arith.constant 16 : index
    %swap3A_27 = tpu.vector_load %arg8[%swap3A_26] {strides = array<i32>} : memref<80xi32, #tpu.memory_space<vmem>>, vector<16xi32>,
    %swap3A_28 = vector.shape_cast %swap3A_27 : vector<16xi32> to vector<16xi32>
    %swap3A_29 = vector.shape_cast %and3A_25 : vector<16xi32> to vector<16xi32>
    tpu.vector_store %arg8[%swap3A_26], %swap3A_29 {strides = array<i32>} : memref<80xi32, #tpu.memory_space<vmem>>, vector<16xi32>,
    %shift_right_logical3A_30 = arith.constant 16 : i32
    %shift_right_logical3A_31 = vector.broadcast %shift_right_logical3A_30 : i32 to vector<16xi32>
    %shift_right_logical3A_32 = arith.shrui %get3A_22, %shift_right_logical3A_31 : vector<16xi32>
    %swap3A_33 = arith.constant 16 : index
    %swap3A_34 = tpu.vector_load %arg10[%swap3A_33] {strides = array<i32>} : memref<80xi32, #tpu.memory_space<vmem>>, vector<16xi32>,
    %swap3A_35 = vector.shape_cast %swap3A_34 : vector<16xi32> to vector<16xi32>
    %swap3A_36 = vector.shape_cast %shift_right_logical3A_32 : vector<16xi32> to vector<16xi32>
    tpu.vector_store %arg10[%swap3A_33], %swap3A_36 {strides = array<i32>} : memref<80xi32, #tpu.memory_space<vmem>>, vector<16xi32>,
    %get3A_37 = arith.constant 0 : i32
    %get3A_38 = arith.index_cast %get3A_37 : i32 to index
    %get3A_39 = arith.constant 32 : index
    %get3A_40 = tpu.vector_load %arg7[%get3A_38, %get3A_39] {strides = array<i32>} : memref<125x80xi32, #tpu.memory_space<vmem>>, vector<1x16xi32>,
    %get3A_41 = vector.shape_cast %get3A_40 : vector<1x16xi32> to vector<16xi32>
    %and3A_42 = arith.constant 65535 : i32
    %and3A_43 = vector.broadcast %and3A_42 : i32 to vector<16xi32>
    %and3A_44 = arith.andi %get3A_41, %and3A_43 : vector<16xi32>
    %swap3A_45 = arith.constant 32 : index
    %swap3A_46 = tpu.vector_load %arg8[%swap3A_45] {strides = array<i32>} : memref<80xi32, #tpu.memory_space<vmem>>, vector<16xi32>,
    %swap3A_47 = vector.shape_cast %swap3A_46 : vector<16xi32> to vector<16xi32>
    %swap3A_48 = vector.shape_cast %and3A_44 : vector<16xi32> to vector<16xi32>
    tpu.vector_store %arg8[%swap3A_45], %swap3A_48 {strides = array<i32>} : memref<80xi32, #tpu.memory_space<vmem>>, vector<16xi32>,
    %shift_right_logical3A_49 = arith.constant 16 : i32
    %shift_right_logical3A_50 = vector.broadcast %shift_right_logical3A_49 : i32 to vector<16xi32>
    %shift_right_logical3A_51 = arith.shrui %get3A_41, %shift_right_logical3A_50 : vector<16xi32>
    %swap3A_52 = arith.constant 32 : index
    %swap3A_53 = tpu.vector_load %arg10[%swap3A_52] {strides = array<i32>} : memref<80xi32, #tpu.memory_space<vmem>>, vector<16xi32>,
    %swap3A_54 = vector.shape_cast %swap3A_53 : vector<16xi32> to vector<16xi32>
    %swap3A_55 = vector.shape_cast %shift_right_logical3A_51 : vector<16xi32> to vector<16xi32>
    tpu.vector_store %arg10[%swap3A_52], %swap3A_55 {strides = array<i32>} : memref<80xi32, #tpu.memory_space<vmem>>, vector<16xi32>,
    %get3A_56 = arith.constant 0 : i32
    %get3A_57 = arith.index_cast %get3A_56 : i32 to index
    %get3A_58 = arith.constant 48 : index
    %get3A_59 = tpu.vector_load %arg7[%get3A_57, %get3A_58] {strides = array<i32>} : memref<125x80xi32, #tpu.memory_space<vmem>>, vector<1x16xi32>,
    %get3A_60 = vector.shape_cast %get3A_59 : vector<1x16xi32> to vector<16xi32>
    %and3A_61 = arith.constant 65535 : i32
    %and3A_62 = vector.broadcast %and3A_61 : i32 to vector<16xi32>
    %and3A_63 = arith.andi %get3A_60, %and3A_62 : vector<16xi32>
    %swap3A_64 = arith.constant 48 : index
    %swap3A_65 = tpu.vector_load %arg8[%swap3A_64] {strides = array<i32>} : memref<80xi32, #tpu.memory_space<vmem>>, vector<16xi32>,
    %swap3A_66 = vector.shape_cast %swap3A_65 : vector<16xi32> to vector<16xi32>
    %swap3A_67 = vector.shape_cast %and3A_63 : vector<16xi32> to vector<16xi32>
    tpu.vector_store %arg8[%swap3A_64], %swap3A_67 {strides = array<i32>} : memref<80xi32, #tpu.memory_space<vmem>>, vector<16xi32>,
    %shift_right_logical3A_68 = arith.constant 16 : i32
    %shift_right_logical3A_69 = vector.broadcast %shift_right_logical3A_68 : i32 to vector<16xi32>
    %shift_right_logical3A_70 = arith.shrui %get3A_60, %shift_right_logical3A_69 : vector<16xi32>
    %swap3A_71 = arith.constant 48 : index
    %swap3A_72 = tpu.vector_load %arg10[%swap3A_71] {strides = array<i32>} : memref<80xi32, #tpu.memory_space<vmem>>, vector<16xi32>,
    %swap3A_73 = vector.shape_cast %swap3A_72 : vector<16xi32> to vector<16xi32>
    %swap3A_74 = vector.shape_cast %shift_right_logical3A_70 : vector<16xi32> to vector<16xi32>
    tpu.vector_store %arg10[%swap3A_71], %swap3A_74 {strides = array<i32>} : memref<80xi32, #tpu.memory_space<vmem>>, vector<16xi32>,
    %get3A_75 = arith.constant 0 : i32
    %get3A_76 = arith.index_cast %get3A_75 : i32 to index
    %get3A_77 = arith.constant 64 : index
    %get3A_78 = tpu.vector_load %arg7[%get3A_76, %get3A_77] {strides = array<i32>} : memref<125x80xi32, #tpu.memory_space<vmem>>, vector<1x16xi32>,
    %get3A_79 = vector.shape_cast %get3A_78 : vector<1x16xi32> to vector<16xi32>
    %and3A_80 = arith.constant 65535 : i32
    %and3A_81 = vector.broadcast %and3A_80 : i32 to vector<16xi32>
    %and3A_82 = arith.andi %get3A_79, %and3A_81 : vector<16xi32>
    %swap3A_83 = arith.constant 64 : index
    %swap3A_84 = tpu.vector_load %arg8[%swap3A_83] {strides = array<i32>} : memref<80xi32, #tpu.memory_space<vmem>>, vector<16xi32>,
    %swap3A_85 = vector.shape_cast %swap3A_84 : vector<16xi32> to vector<16xi32>
    %swap3A_86 = vector.shape_cast %and3A_82 : vector<16xi32> to vector<16xi32>
    tpu.vector_store %arg8[%swap3A_83], %swap3A_86 {strides = array<i32>} : memref<80xi32, #tpu.memory_space<vmem>>, vector<16xi32>,
    %shift_right_logical3A_87 = arith.constant 16 : i32
    %shift_right_logical3A_88 = vector.broadcast %shift_right_logical3A_87 : i32 to vector<16xi32>
    %shift_right_logical3A_89 = arith.shrui %get3A_79, %shift_right_logical3A_88 : vector<16xi32>
    %swap3A_90 = arith.constant 64 : index
    %swap3A_91 = tpu.vector_load %arg10[%swap3A_90] {strides = array<i32>} : memref<80xi32, #tpu.memory_space<vmem>>, vector<16xi32>,
    %swap3A_92 = vector.shape_cast %swap3A_91 : vector<16xi32> to vector<16xi32>
    %swap3A_93 = vector.shape_cast %shift_right_logical3A_89 : vector<16xi32> to vector<16xi32>
    tpu.vector_store %arg10[%swap3A_90], %swap3A_93 {strides = array<i32>} : memref<80xi32, #tpu.memory_space<vmem>>, vector<16xi32>,
    %dma_start3A = arith.constant 0 : i32
    %dma_start3A_94 = arith.constant 0 : i32
    %dma_start3A_95 = tpu.memref_slice %arg2[%dma_start3A, %dma_start3A_94] : memref<10000x128xf32, #tpu.memory_space<hbm>> -> memref<10000x128xf32, #tpu.memory_space<hbm>>
    tpu.enqueue_indirect_dma source(%dma_start3A_95 : memref<10000x128xf32, #tpu.memory_space<hbm>>) target(%arg12 : memref<80x128xf32, #tpu.memory_space<vmem>>) offsets(%arg8 : memref<80xi32, #tpu.memory_space<vmem>>) semaphore(%arg15 : memref<!tpu.dma_semaphore, #tpu.memory_space<semaphore_mem>>)
    %scan3A = arith.constant 0 : i32
    %scan3A_96 = arith.constant 0 : i32
    %scan3A_97 = arith.constant 62 : i32
    %scan3A_98 = arith.addi %scan3A_96, %scan3A_97 : i32
    %scan3A_99 = arith.constant 1 : i32
    %scan3A_100 = scf.for %scan3A_109 = %scan3A_96 to %scan3A_98 step %scan3A_99 iter_args(%scan3A_110 = %scan3A) -> (i32)  : i32 {
      %mul3A_111 = arith.constant 2 : i32
      %mul3A_112 = arith.muli %mul3A_111, %scan3A_109 : i32
      %add3A_113 = arith.constant 1 : i32
      %add3A_114 = arith.addi %mul3A_112, %add3A_113 : i32
      %get3A_115 = arith.index_cast %add3A_114 : i32 to index
      %get3A_116 = arith.constant 0 : index
      %get3A_117 = tpu.vector_load %arg7[%get3A_115, %get3A_116] {strides = array<i32>} : memref<125x80xi32, #tpu.memory_space<vmem>>, vector<1x16xi32>,
      %get3A_118 = vector.shape_cast %get3A_117 : vector<1x16xi32> to vector<16xi32>
      %and3A_119 = arith.constant 65535 : i32
      %and3A_120 = vector.broadcast %and3A_119 : i32 to vector<16xi32>
      %and3A_121 = arith.andi %get3A_118, %and3A_120 : vector<16xi32>
      %swap3A_122 = arith.constant 0 : index
      %swap3A_123 = tpu.vector_load %arg9[%swap3A_122] {strides = array<i32>} : memref<80xi32, #tpu.memory_space<vmem>>, vector<16xi32>,
      %swap3A_124 = vector.shape_cast %swap3A_123 : vector<16xi32> to vector<16xi32>
      %swap3A_125 = vector.shape_cast %and3A_121 : vector<16xi32> to vector<16xi32>
      tpu.vector_store %arg9[%swap3A_122], %swap3A_125 {strides = array<i32>} : memref<80xi32, #tpu.memory_space<vmem>>, vector<16xi32>,
      %shift_right_logical3A_126 = arith.constant 16 : i32
      %shift_right_logical3A_127 = vector.broadcast %shift_right_logical3A_126 : i32 to vector<16xi32>
      %shift_right_logical3A_128 = arith.shrui %get3A_118, %shift_right_logical3A_127 : vector<16xi32>
      %swap3A_129 = arith.constant 0 : index
      %swap3A_130 = tpu.vector_load %arg11[%swap3A_129] {strides = array<i32>} : memref<80xi32, #tpu.memory_space<vmem>>, vector<16xi32>,
      %swap3A_131 = vector.shape_cast %swap3A_130 : vector<16xi32> to vector<16xi32>
      %swap3A_132 = vector.shape_cast %shift_right_logical3A_128 : vector<16xi32> to vector<16xi32>
      tpu.vector_store %arg11[%swap3A_129], %swap3A_132 {strides = array<i32>} : memref<80xi32, #tpu.memory_space<vmem>>, vector<16xi32>,
      %get3A_133 = arith.index_cast %add3A_114 : i32 to index
      %get3A_134 = arith.constant 16 : index
      %get3A_135 = tpu.vector_load %arg7[%get3A_133, %get3A_134] {strides = array<i32>} : memref<125x80xi32, #tpu.memory_space<vmem>>, vector<1x16xi32>,
      %get3A_136 = vector.shape_cast %get3A_135 : vector<1x16xi32> to vector<16xi32>
      %and3A_137 = arith.constant 65535 : i32
      %and3A_138 = vector.broadcast %and3A_137 : i32 to vector<16xi32>
      %and3A_139 = arith.andi %get3A_136, %and3A_138 : vector<16xi32>
      %swap3A_140 = arith.constant 16 : index
      %swap3A_141 = tpu.vector_load %arg9[%swap3A_140] {strides = array<i32>} : memref<80xi32, #tpu.memory_space<vmem>>, vector<16xi32>,
      %swap3A_142 = vector.shape_cast %swap3A_141 : vector<16xi32> to vector<16xi32>
      %swap3A_143 = vector.shape_cast %and3A_139 : vector<16xi32> to vector<16xi32>
      tpu.vector_store %arg9[%swap3A_140], %swap3A_143 {strides = array<i32>} : memref<80xi32, #tpu.memory_space<vmem>>, vector<16xi32>,
      %shift_right_logical3A_144 = arith.constant 16 : i32
      %shift_right_logical3A_145 = vector.broadcast %shift_right_logical3A_144 : i32 to vector<16xi32>
      %shift_right_logical3A_146 = arith.shrui %get3A_136, %shift_right_logical3A_145 : vector<16xi32>
      %swap3A_147 = arith.constant 16 : index
      %swap3A_148 = tpu.vector_load %arg11[%swap3A_147] {strides = array<i32>} : memref<80xi32, #tpu.memory_space<vmem>>, vector<16xi32>,
      %swap3A_149 = vector.shape_cast %swap3A_148 : vector<16xi32> to vector<16xi32>
      %swap3A_150 = vector.shape_cast %shift_right_logical3A_146 : vector<16xi32> to vector<16xi32>
      tpu.vector_store %arg11[%swap3A_147], %swap3A_150 {strides = array<i32>} : memref<80xi32, #tpu.memory_space<vmem>>, vector<16xi32>,
      %get3A_151 = arith.index_cast %add3A_114 : i32 to index
      %get3A_152 = arith.constant 32 : index
      %get3A_153 = tpu.vector_load %arg7[%get3A_151, %get3A_152] {strides = array<i32>} : memref<125x80xi32, #tpu.memory_space<vmem>>, vector<1x16xi32>,
      %get3A_154 = vector.shape_cast %get3A_153 : vector<1x16xi32> to vector<16xi32>
      %and3A_155 = arith.constant 65535 : i32
      %and3A_156 = vector.broadcast %and3A_155 : i32 to vector<16xi32>
      %and3A_157 = arith.andi %get3A_154, %and3A_156 : vector<16xi32>
      %swap3A_158 = arith.constant 32 : index
      %swap3A_159 = tpu.vector_load %arg9[%swap3A_158] {strides = array<i32>} : memref<80xi32, #tpu.memory_space<vmem>>, vector<16xi32>,
      %swap3A_160 = vector.shape_cast %swap3A_159 : vector<16xi32> to vector<16xi32>
      %swap3A_161 = vector.shape_cast %and3A_157 : vector<16xi32> to vector<16xi32>
      tpu.vector_store %arg9[%swap3A_158], %swap3A_161 {strides = array<i32>} : memref<80xi32, #tpu.memory_space<vmem>>, vector<16xi32>,
      %shift_right_logical3A_162 = arith.constant 16 : i32
      %shift_right_logical3A_163 = vector.broadcast %shift_right_logical3A_162 : i32 to vector<16xi32>
      %shift_right_logical3A_164 = arith.shrui %get3A_154, %shift_right_logical3A_163 : vector<16xi32>
      %swap3A_165 = arith.constant 32 : index
      %swap3A_166 = tpu.vector_load %arg11[%swap3A_165] {strides = array<i32>} : memref<80xi32, #tpu.memory_space<vmem>>, vector<16xi32>,
      %swap3A_167 = vector.shape_cast %swap3A_166 : vector<16xi32> to vector<16xi32>
      %swap3A_168 = vector.shape_cast %shift_right_logical3A_164 : vector<16xi32> to vector<16xi32>
      tpu.vector_store %arg11[%swap3A_165], %swap3A_168 {strides = array<i32>} : memref<80xi32, #tpu.memory_space<vmem>>, vector<16xi32>,
      %get3A_169 = arith.index_cast %add3A_114 : i32 to index
      %get3A_170 = arith.constant 48 : index
      %get3A_171 = tpu.vector_load %arg7[%get3A_169, %get3A_170] {strides = array<i32>} : memref<125x80xi32, #tpu.memory_space<vmem>>, vector<1x16xi32>,
      %get3A_172 = vector.shape_cast %get3A_171 : vector<1x16xi32> to vector<16xi32>
      %and3A_173 = arith.constant 65535 : i32
      %and3A_174 = vector.broadcast %and3A_173 : i32 to vector<16xi32>
      %and3A_175 = arith.andi %get3A_172, %and3A_174 : vector<16xi32>
      %swap3A_176 = arith.constant 48 : index
      %swap3A_177 = tpu.vector_load %arg9[%swap3A_176] {strides = array<i32>} : memref<80xi32, #tpu.memory_space<vmem>>, vector<16xi32>,
      %swap3A_178 = vector.shape_cast %swap3A_177 : vector<16xi32> to vector<16xi32>
      %swap3A_179 = vector.shape_cast %and3A_175 : vector<16xi32> to vector<16xi32>
      tpu.vector_store %arg9[%swap3A_176], %swap3A_179 {strides = array<i32>} : memref<80xi32, #tpu.memory_space<vmem>>, vector<16xi32>,
      %shift_right_logical3A_180 = arith.constant 16 : i32
      %shift_right_logical3A_181 = vector.broadcast %shift_right_logical3A_180 : i32 to vector<16xi32>
      %shift_right_logical3A_182 = arith.shrui %get3A_172, %shift_right_logical3A_181 : vector<16xi32>
      %swap3A_183 = arith.constant 48 : index
      %swap3A_184 = tpu.vector_load %arg11[%swap3A_183] {strides = array<i32>} : memref<80xi32, #tpu.memory_space<vmem>>, vector<16xi32>,
      %swap3A_185 = vector.shape_cast %swap3A_184 : vector<16xi32> to vector<16xi32>
      %swap3A_186 = vector.shape_cast %shift_right_logical3A_182 : vector<16xi32> to vector<16xi32>
      tpu.vector_store %arg11[%swap3A_183], %swap3A_186 {strides = array<i32>} : memref<80xi32, #tpu.memory_space<vmem>>, vector<16xi32>,
      %get3A_187 = arith.index_cast %add3A_114 : i32 to index
      %get3A_188 = arith.constant 64 : index
      %get3A_189 = tpu.vector_load %arg7[%get3A_187, %get3A_188] {strides = array<i32>} : memref<125x80xi32, #tpu.memory_space<vmem>>, vector<1x16xi32>,
      %get3A_190 = vector.shape_cast %get3A_189 : vector<1x16xi32> to vector<16xi32>
      %and3A_191 = arith.constant 65535 : i32
      %and3A_192 = vector.broadcast %and3A_191 : i32 to vector<16xi32>
      %and3A_193 = arith.andi %get3A_190, %and3A_192 : vector<16xi32>
      %swap3A_194 = arith.constant 64 : index
      %swap3A_195 = tpu.vector_load %arg9[%swap3A_194] {strides = array<i32>} : memref<80xi32, #tpu.memory_space<vmem>>, vector<16xi32>,
      %swap3A_196 = vector.shape_cast %swap3A_195 : vector<16xi32> to vector<16xi32>
      %swap3A_197 = vector.shape_cast %and3A_193 : vector<16xi32> to vector<16xi32>
      tpu.vector_store %arg9[%swap3A_194], %swap3A_197 {strides = array<i32>} : memref<80xi32, #tpu.memory_space<vmem>>, vector<16xi32>,
      %shift_right_logical3A_198 = arith.constant 16 : i32
      %shift_right_logical3A_199 = vector.broadcast %shift_right_logical3A_198 : i32 to vector<16xi32>
      %shift_right_logical3A_200 = arith.shrui %get3A_190, %shift_right_logical3A_199 : vector<16xi32>
      %swap3A_201 = arith.constant 64 : index
      %swap3A_202 = tpu.vector_load %arg11[%swap3A_201] {strides = array<i32>} : memref<80xi32, #tpu.memory_space<vmem>>, vector<16xi32>,
      %swap3A_203 = vector.shape_cast %swap3A_202 : vector<16xi32> to vector<16xi32>
      %swap3A_204 = vector.shape_cast %shift_right_logical3A_200 : vector<16xi32> to vector<16xi32>
      tpu.vector_store %arg11[%swap3A_201], %swap3A_204 {strides = array<i32>} : memref<80xi32, #tpu.memory_space<vmem>>, vector<16xi32>,
      %dma_start3A_205 = arith.constant 0 : i32
      %dma_start3A_206 = arith.constant 0 : i32
      %dma_start3A_207 = tpu.memref_slice %arg2[%dma_start3A_205, %dma_start3A_206] : memref<10000x128xf32, #tpu.memory_space<hbm>> -> memref<10000x128xf32, #tpu.memory_space<hbm>>
      tpu.enqueue_indirect_dma source(%dma_start3A_207 : memref<10000x128xf32, #tpu.memory_space<hbm>>) target(%arg13 : memref<80x128xf32, #tpu.memory_space<vmem>>) offsets(%arg9 : memref<80xi32, #tpu.memory_space<vmem>>) semaphore(%arg16 : memref<!tpu.dma_semaphore, #tpu.memory_space<semaphore_mem>>)
      %dma_wait3A_208 = arith.constant 0 : i32
      %dma_wait3A_209 = arith.constant 0 : i32
      %dma_wait3A_210 = tpu.memref_slice %arg2[%dma_wait3A_208, %dma_wait3A_209] : memref<10000x128xf32, #tpu.memory_space<hbm>> -> memref<10000x128xf32, #tpu.memory_space<hbm>>
      tpu.wait_indirect_dma semaphore(%arg15 : memref<!tpu.dma_semaphore, #tpu.memory_space<semaphore_mem>>) src(%dma_wait3A_210 : memref<10000x128xf32, #tpu.memory_space<hbm>>) dst(%arg12 : memref<80x128xf32, #tpu.memory_space<vmem>>)
      "tpu.region"() ({
        %run_scoped3A = tpu.sem_alloc : memref<!tpu.dma_semaphore, #tpu.memory_space<semaphore_mem>>
        %dma_start3A_310 = arith.constant 0 : i32
        %dma_start3A_311 = arith.constant 0 : i32
        %dma_start3A_312 = tpu.memref_slice %arg14[%dma_start3A_310, %dma_start3A_311] : memref<10240x128xf32, #tpu.memory_space<vmem_shared>> -> memref<10240x128xf32, #tpu.memory_space<vmem_shared>>
        tpu.enqueue_indirect_dma source(%arg12 : memref<80x128xf32, #tpu.memory_space<vmem>>) target(%dma_start3A_312 : memref<10240x128xf32, #tpu.memory_space<vmem_shared>>) offsets(%arg10 : memref<80xi32, #tpu.memory_space<vmem>>) semaphore(%run_scoped3A : memref<!tpu.dma_semaphore, #tpu.memory_space<semaphore_mem>>) {add = true}
        %dma_wait3A_313 = arith.constant 0 : i32
        %dma_wait3A_314 = arith.constant 0 : i32
        %dma_wait3A_315 = tpu.memref_slice %arg14[%dma_wait3A_313, %dma_wait3A_314] : memref<10240x128xf32, #tpu.memory_space<vmem_shared>> -> memref<10240x128xf32, #tpu.memory_space<vmem_shared>>
        tpu.wait_indirect_dma semaphore(%run_scoped3A : memref<!tpu.dma_semaphore, #tpu.memory_space<semaphore_mem>>) src(%arg12 : memref<80x128xf32, #tpu.memory_space<vmem>>) dst(%dma_wait3A_315 : memref<10240x128xf32, #tpu.memory_space<vmem_shared>>)
        tpu.yield
      }) : () -> ()
      %add3A_211 = arith.constant 2 : i32
      %add3A_212 = arith.addi %mul3A_112, %add3A_211 : i32
      %get3A_213 = arith.index_cast %add3A_212 : i32 to index
      %get3A_214 = arith.constant 0 : index
      %get3A_215 = tpu.vector_load %arg7[%get3A_213, %get3A_214] {strides = array<i32>} : memref<125x80xi32, #tpu.memory_space<vmem>>, vector<1x16xi32>,
      %get3A_216 = vector.shape_cast %get3A_215 : vector<1x16xi32> to vector<16xi32>
      %and3A_217 = arith.constant 65535 : i32
      %and3A_218 = vector.broadcast %and3A_217 : i32 to vector<16xi32>
      %and3A_219 = arith.andi %get3A_216, %and3A_218 : vector<16xi32>
      %swap3A_220 = arith.constant 0 : index
      %swap3A_221 = tpu.vector_load %arg8[%swap3A_220] {strides = array<i32>} : memref<80xi32, #tpu.memory_space<vmem>>, vector<16xi32>,
      %swap3A_222 = vector.shape_cast %swap3A_221 : vector<16xi32> to vector<16xi32>
      %swap3A_223 = vector.shape_cast %and3A_219 : vector<16xi32> to vector<16xi32>
      tpu.vector_store %arg8[%swap3A_220], %swap3A_223 {strides = array<i32>} : memref<80xi32, #tpu.memory_space<vmem>>, vector<16xi32>,
      %shift_right_logical3A_224 = arith.constant 16 : i32
      %shift_right_logical3A_225 = vector.broadcast %shift_right_logical3A_224 : i32 to vector<16xi32>
      %shift_right_logical3A_226 = arith.shrui %get3A_216, %shift_right_logical3A_225 : vector<16xi32>
      %swap3A_227 = arith.constant 0 : index
      %swap3A_228 = tpu.vector_load %arg10[%swap3A_227] {strides = array<i32>} : memref<80xi32, #tpu.memory_space<vmem>>, vector<16xi32>,
      %swap3A_229 = vector.shape_cast %swap3A_228 : vector<16xi32> to vector<16xi32>
      %swap3A_230 = vector.shape_cast %shift_right_logical3A_226 : vector<16xi32> to vector<16xi32>
      tpu.vector_store %arg10[%swap3A_227], %swap3A_230 {strides = array<i32>} : memref<80xi32, #tpu.memory_space<vmem>>, vector<16xi32>,
      %get3A_231 = arith.index_cast %add3A_212 : i32 to index
      %get3A_232 = arith.constant 16 : index
      %get3A_233 = tpu.vector_load %arg7[%get3A_231, %get3A_232] {strides = array<i32>} : memref<125x80xi32, #tpu.memory_space<vmem>>, vector<1x16xi32>,
      %get3A_234 = vector.shape_cast %get3A_233 : vector<1x16xi32> to vector<16xi32>
      %and3A_235 = arith.constant 65535 : i32
      %and3A_236 = vector.broadcast %and3A_235 : i32 to vector<16xi32>
      %and3A_237 = arith.andi %get3A_234, %and3A_236 : vector<16xi32>
      %swap3A_238 = arith.constant 16 : index
      %swap3A_239 = tpu.vector_load %arg8[%swap3A_238] {strides = array<i32>} : memref<80xi32, #tpu.memory_space<vmem>>, vector<16xi32>,
      %swap3A_240 = vector.shape_cast %swap3A_239 : vector<16xi32> to vector<16xi32>
      %swap3A_241 = vector.shape_cast %and3A_237 : vector<16xi32> to vector<16xi32>
      tpu.vector_store %arg8[%swap3A_238], %swap3A_241 {strides = array<i32>} : memref<80xi32, #tpu.memory_space<vmem>>, vector<16xi32>,
      %shift_right_logical3A_242 = arith.constant 16 : i32
      %shift_right_logical3A_243 = vector.broadcast %shift_right_logical3A_242 : i32 to vector<16xi32>
      %shift_right_logical3A_244 = arith.shrui %get3A_234, %shift_right_logical3A_243 : vector<16xi32>
      %swap3A_245 = arith.constant 16 : index
      %swap3A_246 = tpu.vector_load %arg10[%swap3A_245] {strides = array<i32>} : memref<80xi32, #tpu.memory_space<vmem>>, vector<16xi32>,
      %swap3A_247 = vector.shape_cast %swap3A_246 : vector<16xi32> to vector<16xi32>
      %swap3A_248 = vector.shape_cast %shift_right_logical3A_244 : vector<16xi32> to vector<16xi32>
      tpu.vector_store %arg10[%swap3A_245], %swap3A_248 {strides = array<i32>} : memref<80xi32, #tpu.memory_space<vmem>>, vector<16xi32>,
      %get3A_249 = arith.index_cast %add3A_212 : i32 to index
      %get3A_250 = arith.constant 32 : index
      %get3A_251 = tpu.vector_load %arg7[%get3A_249, %get3A_250] {strides = array<i32>} : memref<125x80xi32, #tpu.memory_space<vmem>>, vector<1x16xi32>,
      %get3A_252 = vector.shape_cast %get3A_251 : vector<1x16xi32> to vector<16xi32>
      %and3A_253 = arith.constant 65535 : i32
      %and3A_254 = vector.broadcast %and3A_253 : i32 to vector<16xi32>
      %and3A_255 = arith.andi %get3A_252, %and3A_254 : vector<16xi32>
      %swap3A_256 = arith.constant 32 : index
      %swap3A_257 = tpu.vector_load %arg8[%swap3A_256] {strides = array<i32>} : memref<80xi32, #tpu.memory_space<vmem>>, vector<16xi32>,
      %swap3A_258 = vector.shape_cast %swap3A_257 : vector<16xi32> to vector<16xi32>
      %swap3A_259 = vector.shape_cast %and3A_255 : vector<16xi32> to vector<16xi32>
      tpu.vector_store %arg8[%swap3A_256], %swap3A_259 {strides = array<i32>} : memref<80xi32, #tpu.memory_space<vmem>>, vector<16xi32>,
      %shift_right_logical3A_260 = arith.constant 16 : i32
      %shift_right_logical3A_261 = vector.broadcast %shift_right_logical3A_260 : i32 to vector<16xi32>
      %shift_right_logical3A_262 = arith.shrui %get3A_252, %shift_right_logical3A_261 : vector<16xi32>
      %swap3A_263 = arith.constant 32 : index
      %swap3A_264 = tpu.vector_load %arg10[%swap3A_263] {strides = array<i32>} : memref<80xi32, #tpu.memory_space<vmem>>, vector<16xi32>,
      %swap3A_265 = vector.shape_cast %swap3A_264 : vector<16xi32> to vector<16xi32>
      %swap3A_266 = vector.shape_cast %shift_right_logical3A_262 : vector<16xi32> to vector<16xi32>
      tpu.vector_store %arg10[%swap3A_263], %swap3A_266 {strides = array<i32>} : memref<80xi32, #tpu.memory_space<vmem>>, vector<16xi32>,
      %get3A_267 = arith.index_cast %add3A_212 : i32 to index
      %get3A_268 = arith.constant 48 : index
      %get3A_269 = tpu.vector_load %arg7[%get3A_267, %get3A_268] {strides = array<i32>} : memref<125x80xi32, #tpu.memory_space<vmem>>, vector<1x16xi32>,
      %get3A_270 = vector.shape_cast %get3A_269 : vector<1x16xi32> to vector<16xi32>
      %and3A_271 = arith.constant 65535 : i32
      %and3A_272 = vector.broadcast %and3A_271 : i32 to vector<16xi32>
      %and3A_273 = arith.andi %get3A_270, %and3A_272 : vector<16xi32>
      %swap3A_274 = arith.constant 48 : index
      %swap3A_275 = tpu.vector_load %arg8[%swap3A_274] {strides = array<i32>} : memref<80xi32, #tpu.memory_space<vmem>>, vector<16xi32>,
      %swap3A_276 = vector.shape_cast %swap3A_275 : vector<16xi32> to vector<16xi32>
      %swap3A_277 = vector.shape_cast %and3A_273 : vector<16xi32> to vector<16xi32>
      tpu.vector_store %arg8[%swap3A_274], %swap3A_277 {strides = array<i32>} : memref<80xi32, #tpu.memory_space<vmem>>, vector<16xi32>,
      %shift_right_logical3A_278 = arith.constant 16 : i32
      %shift_right_logical3A_279 = vector.broadcast %shift_right_logical3A_278 : i32 to vector<16xi32>
      %shift_right_logical3A_280 = arith.shrui %get3A_270, %shift_right_logical3A_279 : vector<16xi32>
      %swap3A_281 = arith.constant 48 : index
      %swap3A_282 = tpu.vector_load %arg10[%swap3A_281] {strides = array<i32>} : memref<80xi32, #tpu.memory_space<vmem>>, vector<16xi32>,
      %swap3A_283 = vector.shape_cast %swap3A_282 : vector<16xi32> to vector<16xi32>
      %swap3A_284 = vector.shape_cast %shift_right_logical3A_280 : vector<16xi32> to vector<16xi32>
      tpu.vector_store %arg10[%swap3A_281], %swap3A_284 {strides = array<i32>} : memref<80xi32, #tpu.memory_space<vmem>>, vector<16xi32>,
      %get3A_285 = arith.index_cast %add3A_212 : i32 to index
      %get3A_286 = arith.constant 64 : index
      %get3A_287 = tpu.vector_load %arg7[%get3A_285, %get3A_286] {strides = array<i32>} : memref<125x80xi32, #tpu.memory_space<vmem>>, vector<1x16xi32>,
      %get3A_288 = vector.shape_cast %get3A_287 : vector<1x16xi32> to vector<16xi32>
      %and3A_289 = arith.constant 65535 : i32
      %and3A_290 = vector.broadcast %and3A_289 : i32 to vector<16xi32>
      %and3A_291 = arith.andi %get3A_288, %and3A_290 : vector<16xi32>
      %swap3A_292 = arith.constant 64 : index
      %swap3A_293 = tpu.vector_load %arg8[%swap3A_292] {strides = array<i32>} : memref<80xi32, #tpu.memory_space<vmem>>, vector<16xi32>,
      %swap3A_294 = vector.shape_cast %swap3A_293 : vector<16xi32> to vector<16xi32>
      %swap3A_295 = vector.shape_cast %and3A_291 : vector<16xi32> to vector<16xi32>
      tpu.vector_store %arg8[%swap3A_292], %swap3A_295 {strides = array<i32>} : memref<80xi32, #tpu.memory_space<vmem>>, vector<16xi32>,
      %shift_right_logical3A_296 = arith.constant 16 : i32
      %shift_right_logical3A_297 = vector.broadcast %shift_right_logical3A_296 : i32 to vector<16xi32>
      %shift_right_logical3A_298 = arith.shrui %get3A_288, %shift_right_logical3A_297 : vector<16xi32>
      %swap3A_299 = arith.constant 64 : index
      %swap3A_300 = tpu.vector_load %arg10[%swap3A_299] {strides = array<i32>} : memref<80xi32, #tpu.memory_space<vmem>>, vector<16xi32>,
      %swap3A_301 = vector.shape_cast %swap3A_300 : vector<16xi32> to vector<16xi32>
      %swap3A_302 = vector.shape_cast %shift_right_logical3A_298 : vector<16xi32> to vector<16xi32>
      tpu.vector_store %arg10[%swap3A_299], %swap3A_302 {strides = array<i32>} : memref<80xi32, #tpu.memory_space<vmem>>, vector<16xi32>,
      %dma_start3A_303 = arith.constant 0 : i32
      %dma_start3A_304 = arith.constant 0 : i32
      %dma_start3A_305 = tpu.memref_slice %arg2[%dma_start3A_303, %dma_start3A_304] : memref<10000x128xf32, #tpu.memory_space<hbm>> -> memref<10000x128xf32, #tpu.memory_space<hbm>>
      tpu.enqueue_indirect_dma source(%dma_start3A_305 : memref<10000x128xf32, #tpu.memory_space<hbm>>) target(%arg12 : memref<80x128xf32, #tpu.memory_space<vmem>>) offsets(%arg8 : memref<80xi32, #tpu.memory_space<vmem>>) semaphore(%arg15 : memref<!tpu.dma_semaphore, #tpu.memory_space<semaphore_mem>>)
      %dma_wait3A_306 = arith.constant 0 : i32
      %dma_wait3A_307 = arith.constant 0 : i32
      %dma_wait3A_308 = tpu.memref_slice %arg2[%dma_wait3A_306, %dma_wait3A_307] : memref<10000x128xf32, #tpu.memory_space<hbm>> -> memref<10000x128xf32, #tpu.memory_space<hbm>>
      tpu.wait_indirect_dma semaphore(%arg16 : memref<!tpu.dma_semaphore, #tpu.memory_space<semaphore_mem>>) src(%dma_wait3A_308 : memref<10000x128xf32, #tpu.memory_space<hbm>>) dst(%arg13 : memref<80x128xf32, #tpu.memory_space<vmem>>)
      "tpu.region"() ({
        %run_scoped3A = tpu.sem_alloc : memref<!tpu.dma_semaphore, #tpu.memory_space<semaphore_mem>>
        %dma_start3A_310 = arith.constant 0 : i32
        %dma_start3A_311 = arith.constant 0 : i32
        %dma_start3A_312 = tpu.memref_slice %arg14[%dma_start3A_310, %dma_start3A_311] : memref<10240x128xf32, #tpu.memory_space<vmem_shared>> -> memref<10240x128xf32, #tpu.memory_space<vmem_shared>>
        tpu.enqueue_indirect_dma source(%arg13 : memref<80x128xf32, #tpu.memory_space<vmem>>) target(%dma_start3A_312 : memref<10240x128xf32, #tpu.memory_space<vmem_shared>>) offsets(%arg11 : memref<80xi32, #tpu.memory_space<vmem>>) semaphore(%run_scoped3A : memref<!tpu.dma_semaphore, #tpu.memory_space<semaphore_mem>>) {add = true}
        %dma_wait3A_313 = arith.constant 0 : i32
        %dma_wait3A_314 = arith.constant 0 : i32
        %dma_wait3A_315 = tpu.memref_slice %arg14[%dma_wait3A_313, %dma_wait3A_314] : memref<10240x128xf32, #tpu.memory_space<vmem_shared>> -> memref<10240x128xf32, #tpu.memory_space<vmem_shared>>
        tpu.wait_indirect_dma semaphore(%run_scoped3A : memref<!tpu.dma_semaphore, #tpu.memory_space<semaphore_mem>>) src(%arg13 : memref<80x128xf32, #tpu.memory_space<vmem>>) dst(%dma_wait3A_315 : memref<10240x128xf32, #tpu.memory_space<vmem_shared>>)
        tpu.yield
      }) : () -> ()
      %scan3A_309 = arith.constant 0 : i32
      scf.yield %scan3A_309 : i32
    }
    %scan3A_101 = arith.constant 62 : i32
    %dma_wait3A = arith.constant 0 : i32
    %dma_wait3A_102 = arith.constant 0 : i32
    %dma_wait3A_103 = tpu.memref_slice %arg2[%dma_wait3A, %dma_wait3A_102] : memref<10000x128xf32, #tpu.memory_space<hbm>> -> memref<10000x128xf32, #tpu.memory_space<hbm>>
    tpu.wait_indirect_dma semaphore(%arg15 : memref<!tpu.dma_semaphore, #tpu.memory_space<semaphore_mem>>) src(%dma_wait3A_103 : memref<10000x128xf32, #tpu.memory_space<hbm>>) dst(%arg12 : memref<80x128xf32, #tpu.memory_space<vmem>>)
    "tpu.region"() ({
      %run_scoped3A = tpu.sem_alloc : memref<!tpu.dma_semaphore, #tpu.memory_space<semaphore_mem>>
      %dma_start3A_109 = arith.constant 0 : i32
      %dma_start3A_110 = arith.constant 0 : i32
      %dma_start3A_111 = tpu.memref_slice %arg14[%dma_start3A_109, %dma_start3A_110] : memref<10240x128xf32, #tpu.memory_space<vmem_shared>> -> memref<10240x128xf32, #tpu.memory_space<vmem_shared>>
      tpu.enqueue_indirect_dma source(%arg12 : memref<80x128xf32, #tpu.memory_space<vmem>>) target(%dma_start3A_111 : memref<10240x128xf32, #tpu.memory_space<vmem_shared>>) offsets(%arg10 : memref<80xi32, #tpu.memory_space<vmem>>) semaphore(%run_scoped3A : memref<!tpu.dma_semaphore, #tpu.memory_space<semaphore_mem>>) {add = true}
      %dma_wait3A_112 = arith.constant 0 : i32
      %dma_wait3A_113 = arith.constant 0 : i32
      %dma_wait3A_114 = tpu.memref_slice %arg14[%dma_wait3A_112, %dma_wait3A_113] : memref<10240x128xf32, #tpu.memory_space<vmem_shared>> -> memref<10240x128xf32, #tpu.memory_space<vmem_shared>>
      tpu.wait_indirect_dma semaphore(%run_scoped3A : memref<!tpu.dma_semaphore, #tpu.memory_space<semaphore_mem>>) src(%arg12 : memref<80x128xf32, #tpu.memory_space<vmem>>) dst(%dma_wait3A_114 : memref<10240x128xf32, #tpu.memory_space<vmem_shared>>)
      tpu.yield
    }) : () -> ()
    %barrier3A_104 = arith.constant 0 : index
    tpu.barrier barrier_id(%barrier3A_104)
    %mul3A_105 = arith.constant 640 : i32
    %mul3A_106 = arith.muli %arg1, %mul3A_105 : i32
    %mul3A_107 = arith.constant 640 : i32
    %mul3A_108 = arith.muli %arg1, %mul3A_107 : i32
    "tpu.region"() ({
      %run_scoped3A = tpu.sem_alloc : memref<!tpu.dma_semaphore, #tpu.memory_space<semaphore_mem>>
      %dma_start3A_109 = arith.constant 0 : i32
      %dma_start3A_110 = tpu.memref_slice %arg6[%arg0, %mul3A_108, %dma_start3A_109] : memref<2x10240x128xf32, #tpu.memory_space<hbm>> -> memref<1x640x128xf32, #tpu.memory_space<hbm>>
      %dma_start3A_111 = tpu.memref_squeeze %dma_start3A_110 : memref<1x640x128xf32, #tpu.memory_space<hbm>> -> memref<640x128xf32, #tpu.memory_space<hbm>>
      %dma_start3A_112 = arith.constant 0 : i32
      %dma_start3A_113 = tpu.memref_slice %arg14[%mul3A_106, %dma_start3A_112] : memref<10240x128xf32, #tpu.memory_space<vmem_shared>> -> memref<640x128xf32, #tpu.memory_space<vmem_shared>>
      tpu.enqueue_dma source(%dma_start3A_113 : memref<640x128xf32, #tpu.memory_space<vmem_shared>>) target(%dma_start3A_111 : memref<640x128xf32, #tpu.memory_space<hbm>>) target_semaphore(%run_scoped3A : memref<!tpu.dma_semaphore, #tpu.memory_space<semaphore_mem>>)
      %dma_wait3A_114 = arith.constant 0 : i32
      %dma_wait3A_115 = tpu.memref_slice %arg6[%arg0, %mul3A_108, %dma_wait3A_114] : memref<2x10240x128xf32, #tpu.memory_space<hbm>> -> memref<1x640x128xf32, #tpu.memory_space<hbm>>
      %dma_wait3A_116 = tpu.memref_squeeze %dma_wait3A_115 : memref<1x640x128xf32, #tpu.memory_space<hbm>> -> memref<640x128xf32, #tpu.memory_space<hbm>>
      %dma_wait3A_117 = arith.constant 0 : i32
      %dma_wait3A_118 = tpu.memref_slice %arg14[%mul3A_106, %dma_wait3A_117] : memref<10240x128xf32, #tpu.memory_space<vmem_shared>> -> memref<640x128xf32, #tpu.memory_space<vmem_shared>>
      tpu.wait_dma2 semaphore(%run_scoped3A : memref<!tpu.dma_semaphore, #tpu.memory_space<semaphore_mem>>) src(%dma_wait3A_118 : memref<640x128xf32, #tpu.memory_space<vmem_shared>>) dst(%dma_wait3A_116 : memref<640x128xf32, #tpu.memory_space<hbm>>)
      tpu.yield
    }) : () -> ()
    return
  }
}

module attributes {stable_mosaic.version = 14 : i64} {
  func.func @_xr_body(%arg0: i32, %arg1: memref<1000x128xf32, #tpu.memory_space<vmem>>, %arg2: memref<128x128xf32, #tpu.memory_space<vmem>>, %arg3: memref<1x128xf32, #tpu.memory_space<vmem>>, %arg4: memref<1000x128xf32, #tpu.memory_space<vmem>>) attributes {dimension_semantics = [#tpu.dimension_semantics<arbitrary>], iteration_bounds = array<i64: 10>, scalar_prefetch = 0 : i64, scratch_operands = 0 : i64, tpu.core_type = #tpu.core_type<tc>, window_params = [{transform_indices = @transform_0, window_bounds = array<i64: 1000, 128>}, {pipeline_mode = #tpu.pipeline_mode<synchronous>, transform_indices = @transform_1, window_bounds = array<i64: 128, 128>}, {pipeline_mode = #tpu.pipeline_mode<synchronous>, transform_indices = @transform_2, window_bounds = array<i64: 1, 128>}, {transform_indices = @transform_3, window_bounds = array<i64: 1000, 128>}]} {
    %get3A = arith.constant 0 : index
    %get3A_0 = arith.constant 0 : index
    %get3A_1 = vector.load %arg1[%get3A, %get3A_0] : memref<1000x128xf32, #tpu.memory_space<vmem>>, vector<1000x128xf32>
    %get3A_2 = arith.constant 0 : index
    %get3A_3 = arith.constant 0 : index
    %get3A_4 = vector.load %arg2[%get3A_2, %get3A_3] : memref<128x128xf32, #tpu.memory_space<vmem>>, vector<128x128xf32>
    %dot_general3A = arith.constant dense<0.000000e+00> : vector<1000x128xf32>
    %dot_general3A_5 = tpu.matmul %get3A_1, %get3A_4, %dot_general3A {dimension_numbers = #tpu.dot_dimension_numbers<[1], [0], [0], [1], [0, 0, 1, 1], [], []>, precision = #tpu.contract_precision<fp32>, transpose_lhs_hint = false} : vector<1000x128xf32>, vector<128x128xf32>, vector<1000x128xf32> -> vector<1000x128xf32>
    %get3A_6 = arith.constant 0 : index
    %get3A_7 = arith.constant 0 : index
    %get3A_8 = vector.load %arg3[%get3A_6, %get3A_7] : memref<1x128xf32, #tpu.memory_space<vmem>>, vector<1x128xf32>
    %add3A = vector.broadcast %get3A_8 : vector<1x128xf32> to vector<1000x128xf32>
    %add3A_9 = arith.addf %dot_general3A_5, %add3A : vector<1000x128xf32>
    %swap3A = arith.constant 0 : index
    %swap3A_10 = arith.constant 0 : index
    %swap3A_11 = vector.load %arg4[%swap3A, %swap3A_10] : memref<1000x128xf32, #tpu.memory_space<vmem>>, vector<1000x128xf32>
    tpu.vector_store %arg4[%swap3A, %swap3A_10], %add3A_9 {strides = array<i32>} : memref<1000x128xf32, #tpu.memory_space<vmem>>, vector<1000x128xf32>,
    return
  }
  func.func @transform_0(%arg0: i32) -> (i32, i32) {
    %c0_i32 = arith.constant 0 : i32
    %c0_i32_0 = arith.constant 0 : i32
    return %arg0, %c0_i32 : i32, i32
  }
  func.func @transform_1(%arg0: i32) -> (i32, i32) {
    %c0_i32 = arith.constant 0 : i32
    %c0_i32_0 = arith.constant 0 : i32
    %c0_i32_1 = arith.constant 0 : i32
    return %c0_i32, %c0_i32_0 : i32, i32
  }
  func.func @transform_2(%arg0: i32) -> (i32, i32) {
    %c0_i32 = arith.constant 0 : i32
    %c0_i32_0 = arith.constant 0 : i32
    %c0_i32_1 = arith.constant 0 : i32
    return %c0_i32, %c0_i32_0 : i32, i32
  }
  func.func @transform_3(%arg0: i32) -> (i32, i32) {
    %c0_i32 = arith.constant 0 : i32
    %c0_i32_0 = arith.constant 0 : i32
    return %arg0, %c0_i32 : i32, i32
  }
}

module attributes {stable_mosaic.version = 14 : i64} {
  func.func @_tc1_body(%arg0: i32, %arg1: memref<2x1000x128xf32, #tpu.memory_space<vmem>>, %arg2: memref<1x1x1000xf32, #tpu.memory_space<vmem>>, %arg3: memref<1x1x1000xf32, #tpu.memory_space<vmem>>, %arg4: memref<1000x128xf32, #tpu.memory_space<vmem>>, %arg5: memref<128x128xf32, #tpu.memory_space<vmem>>, %arg6: memref<1000x128xf32, #tpu.memory_space<vmem>>) attributes {dimension_semantics = [#tpu.dimension_semantics<arbitrary>], iteration_bounds = array<i64: 10>, scalar_prefetch = 0 : i64, scratch_operands = 0 : i64, tpu.core_type = #tpu.core_type<tc>, window_params = [{transform_indices = @transform_0, window_bounds = array<i64: 2, 1000, 128>}, {transform_indices = @transform_1, window_bounds = array<i64: 1, 1, 1000>}, {transform_indices = @transform_2, window_bounds = array<i64: 1, 1, 1000>}, {transform_indices = @transform_3, window_bounds = array<i64: 1000, 128>}, {pipeline_mode = #tpu.pipeline_mode<synchronous>, transform_indices = @transform_4, window_bounds = array<i64: 128, 128>}, {transform_indices = @transform_5, window_bounds = array<i64: 1000, 128>}]} {
    %get3A = arith.constant 0 : index
    %get3A_0 = arith.constant 0 : index
    %get3A_1 = arith.constant 0 : index
    %get3A_2 = vector.load %arg2[%get3A, %get3A_0, %get3A_1] : memref<1x1x1000xf32, #tpu.memory_space<vmem>>, vector<1x1x1000xf32>
    %get3A_3 = vector.shape_cast %get3A_2 : vector<1x1x1000xf32> to vector<1000xf32>
    %get3A_4 = arith.constant 0 : index
    %get3A_5 = arith.constant 0 : index
    %get3A_6 = arith.constant 0 : index
    %get3A_7 = vector.load %arg3[%get3A_4, %get3A_5, %get3A_6] : memref<1x1x1000xf32, #tpu.memory_space<vmem>>, vector<1x1x1000xf32>
    %get3A_8 = vector.shape_cast %get3A_7 : vector<1x1x1000xf32> to vector<1000xf32>
    %add3A = arith.addf %get3A_3, %get3A_8 : vector<1000xf32>
    %max3A = arith.constant 1.000000e+00 : f32
    %max3A_9 = vector.broadcast %max3A : f32 to vector<1000xf32>
    %max3A_10 = arith.maximumf %add3A, %max3A_9 : vector<1000xf32>
    %div3A = arith.constant 1.000000e+00 : f32
    %div3A_11 = vector.broadcast %div3A : f32 to vector<1000xf32>
    %div3A_12 = arith.divf %div3A_11, %max3A_10 : vector<1000xf32>
    %get3A_13 = arith.constant 0 : index
    %get3A_14 = arith.constant 0 : index
    %get3A_15 = arith.constant 0 : index
    %get3A_16 = vector.load %arg1[%get3A_13, %get3A_14, %get3A_15] : memref<2x1000x128xf32, #tpu.memory_space<vmem>>, vector<2x1000x128xf32>
    %slice3A = vector.extract_strided_slice %get3A_16 {offsets = [0, 0, 0], sizes = [1, 1000, 128], strides = [1, 1, 1]} : vector<2x1000x128xf32> to vector<1x1000x128xf32>
    %squeeze3A = vector.shape_cast %slice3A : vector<1x1000x128xf32> to vector<1000x128xf32>
    %slice3A_17 = vector.extract_strided_slice %get3A_16 {offsets = [1, 0, 0], sizes = [1, 1000, 128], strides = [1, 1, 1]} : vector<2x1000x128xf32> to vector<1x1000x128xf32>
    %squeeze3A_18 = vector.shape_cast %slice3A_17 : vector<1x1000x128xf32> to vector<1000x128xf32>
    %add3A_19 = arith.addf %squeeze3A, %squeeze3A_18 : vector<1000x128xf32>
    %broadcast_in_dim3A = vector.shape_cast %div3A_12 : vector<1000xf32> to vector<1000x1xf32>
    %mul3A = vector.broadcast %broadcast_in_dim3A : vector<1000x1xf32> to vector<1000x128xf32>
    %mul3A_20 = arith.mulf %add3A_19, %mul3A : vector<1000x128xf32>
    %get3A_21 = arith.constant 0 : index
    %get3A_22 = arith.constant 0 : index
    %get3A_23 = vector.load %arg5[%get3A_21, %get3A_22] : memref<128x128xf32, #tpu.memory_space<vmem>>, vector<128x128xf32>
    %dot_general3A = arith.constant dense<0.000000e+00> : vector<1000x128xf32>
    %dot_general3A_24 = tpu.matmul %mul3A_20, %get3A_23, %dot_general3A {dimension_numbers = #tpu.dot_dimension_numbers<[1], [0], [0], [1], [0, 0, 1, 1], [], []>, precision = #tpu.contract_precision<fp32>, transpose_lhs_hint = false} : vector<1000x128xf32>, vector<128x128xf32>, vector<1000x128xf32> -> vector<1000x128xf32>
    %get3A_25 = arith.constant 0 : index
    %get3A_26 = arith.constant 0 : index
    %get3A_27 = vector.load %arg4[%get3A_25, %get3A_26] : memref<1000x128xf32, #tpu.memory_space<vmem>>, vector<1000x128xf32>
    %add3A_28 = arith.addf %dot_general3A_24, %get3A_27 : vector<1000x128xf32>
    %max3A_29 = arith.constant 0.000000e+00 : f32
    %max3A_30 = vector.broadcast %max3A_29 : f32 to vector<1000x128xf32>
    %max3A_31 = arith.maximumf %add3A_28, %max3A_30 : vector<1000x128xf32>
    %swap3A = arith.constant 0 : index
    %swap3A_32 = arith.constant 0 : index
    %swap3A_33 = vector.load %arg6[%swap3A, %swap3A_32] : memref<1000x128xf32, #tpu.memory_space<vmem>>, vector<1000x128xf32>
    tpu.vector_store %arg6[%swap3A, %swap3A_32], %max3A_31 {strides = array<i32>} : memref<1000x128xf32, #tpu.memory_space<vmem>>, vector<1000x128xf32>,
    return
  }
  func.func @transform_0(%arg0: i32) -> (i32, i32, i32) {
    %c0_i32 = arith.constant 0 : i32
    %c0_i32_0 = arith.constant 0 : i32
    %c0_i32_1 = arith.constant 0 : i32
    return %c0_i32, %arg0, %c0_i32_0 : i32, i32, i32
  }
  func.func @transform_1(%arg0: i32) -> (i32, i32, i32) {
    %c0_i32 = arith.constant 0 : i32
    %c0_i32_0 = arith.constant 0 : i32
    %c0_i32_1 = arith.constant 0 : i32
    return %arg0, %c0_i32, %c0_i32_0 : i32, i32, i32
  }
  func.func @transform_2(%arg0: i32) -> (i32, i32, i32) {
    %c0_i32 = arith.constant 0 : i32
    %c0_i32_0 = arith.constant 0 : i32
    %c0_i32_1 = arith.constant 0 : i32
    return %arg0, %c0_i32, %c0_i32_0 : i32, i32, i32
  }
  func.func @transform_3(%arg0: i32) -> (i32, i32) {
    %c0_i32 = arith.constant 0 : i32
    %c0_i32_0 = arith.constant 0 : i32
    return %arg0, %c0_i32 : i32, i32
  }
  func.func @transform_4(%arg0: i32) -> (i32, i32) {
    %c0_i32 = arith.constant 0 : i32
    %c0_i32_0 = arith.constant 0 : i32
    %c0_i32_1 = arith.constant 0 : i32
    return %c0_i32, %c0_i32_0 : i32, i32
  }
  func.func @transform_5(%arg0: i32) -> (i32, i32) {
    %c0_i32 = arith.constant 0 : i32
    %c0_i32_0 = arith.constant 0 : i32
    return %arg0, %c0_i32 : i32, i32
  }
}

module attributes {stable_mosaic.version = 14 : i64} {
  func.func @_tc23_body(%arg0: i32, %arg1: i32, %arg2: memref<2x1000x128xf32, #tpu.memory_space<vmem>>, %arg3: memref<1x1x1000xf32, #tpu.memory_space<vmem>>, %arg4: memref<1x1x1000xf32, #tpu.memory_space<vmem>>, %arg5: memref<1000x128xf32, #tpu.memory_space<vmem>>, %arg6: memref<128x128xf32, #tpu.memory_space<vmem>>, %arg7: memref<128x128xf32, #tpu.memory_space<vmem>>, %arg8: memref<1x128xf32, #tpu.memory_space<vmem>>, %arg9: memref<1x128xf32, #tpu.memory_space<vmem>>, %arg10: memref<1x128xf32, #tpu.memory_space<vmem>>, %arg11: memref<1x1x1000xi32, #tpu.memory_space<vmem>>, %arg12: memref<128x128xf32, #tpu.memory_space<vmem>>, %arg13: memref<128x128xf32, #tpu.memory_space<vmem>>, %arg14: memref<1x128xf32, #tpu.memory_space<vmem>>, %arg15: memref<128x128xf32, #tpu.memory_space<vmem>>, %arg16: memref<1x128xf32, #tpu.memory_space<vmem>>, %arg17: memref<64x128xf32, #tpu.memory_space<vmem>>, %arg18: memref<10000x128xf32, #tpu.memory_space<vmem>>, %arg19: memref<8x128xf32, #tpu.memory_space<vmem>>, %arg20: memref<64x128xf32, #tpu.memory_space<vmem>>, %arg21: memref<64x128xf32, #tpu.memory_space<vmem>>, %arg22: memref<64x1xf32, #tpu.memory_space<vmem>>) attributes {dimension_semantics = [#tpu.dimension_semantics<arbitrary>, #tpu.dimension_semantics<arbitrary>], iteration_bounds = array<i64: 2, 10>, scalar_prefetch = 0 : i64, scratch_operands = 5 : i64, tpu.core_type = #tpu.core_type<tc>, window_params = [{transform_indices = @transform_0, window_bounds = array<i64: 2, 1000, 128>}, {transform_indices = @transform_1, window_bounds = array<i64: 1, 1, 1000>}, {transform_indices = @transform_2, window_bounds = array<i64: 1, 1, 1000>}, {transform_indices = @transform_3, window_bounds = array<i64: 1000, 128>}, {pipeline_mode = #tpu.pipeline_mode<synchronous>, transform_indices = @transform_4, window_bounds = array<i64: 128, 128>}, {pipeline_mode = #tpu.pipeline_mode<synchronous>, transform_indices = @transform_5, window_bounds = array<i64: 128, 128>}, {pipeline_mode = #tpu.pipeline_mode<synchronous>, transform_indices = @transform_6, window_bounds = array<i64: 1, 128>}, {pipeline_mode = #tpu.pipeline_mode<synchronous>, transform_indices = @transform_7, window_bounds = array<i64: 1, 128>}, {pipeline_mode = #tpu.pipeline_mode<synchronous>, transform_indices = @transform_8, window_bounds = array<i64: 1, 128>}, {transform_indices = @transform_9, window_bounds = array<i64: 1, 1, 1000>}, {pipeline_mode = #tpu.pipeline_mode<synchronous>, transform_indices = @transform_10, window_bounds = array<i64: 128, 128>}, {pipeline_mode = #tpu.pipeline_mode<synchronous>, transform_indices = @transform_11, window_bounds = array<i64: 128, 128>}, {pipeline_mode = #tpu.pipeline_mode<synchronous>, transform_indices = @transform_12, window_bounds = array<i64: 1, 128>}, {pipeline_mode = #tpu.pipeline_mode<synchronous>, transform_indices = @transform_13, window_bounds = array<i64: 128, 128>}, {pipeline_mode = #tpu.pipeline_mode<synchronous>, transform_indices = @transform_14, window_bounds = array<i64: 1, 128>}, {pipeline_mode = #tpu.pipeline_mode<synchronous>, transform_indices = @transform_15, window_bounds = array<i64: 64, 128>}]} {
    %eq3A = arith.constant 0 : i32
    %eq3A_0 = arith.cmpi eq, %arg0, %eq3A : i32
    %eq3A_1 = arith.constant 0 : i32
    %eq3A_2 = arith.cmpi eq, %arg1, %eq3A_1 : i32
    %and3A = arith.andi %eq3A_0, %eq3A_2 : i1
    %convert_element_type3A = arith.extui %and3A : i1 to i32
    %cond3A = arith.constant 0 : i32
    %cond3A_3 = arith.cmpi ne, %convert_element_type3A, %cond3A : i32
    scf.if %cond3A_3 {
      %broadcast_in_dim3A_30 = arith.constant 0.000000e+00 : f32
      %broadcast_in_dim3A_31 = vector.broadcast %broadcast_in_dim3A_30 : f32 to vector<8x128xf32>
      %swap3A = arith.constant 0 : index
      %swap3A_32 = arith.constant 0 : index
      %swap3A_33 = vector.load %arg19[%swap3A, %swap3A_32] : memref<8x128xf32, #tpu.memory_space<vmem>>, vector<8x128xf32>
      tpu.vector_store %arg19[%swap3A, %swap3A_32], %broadcast_in_dim3A_31 {strides = array<i32>} : memref<8x128xf32, #tpu.memory_space<vmem>>, vector<8x128xf32>,
      %broadcast_in_dim3A_34 = arith.constant 0.000000e+00 : f32
      %broadcast_in_dim3A_35 = vector.broadcast %broadcast_in_dim3A_34 : f32 to vector<64x128xf32>
      %swap3A_36 = arith.constant 0 : index
      %swap3A_37 = arith.constant 0 : index
      %swap3A_38 = vector.load %arg20[%swap3A_36, %swap3A_37] : memref<64x128xf32, #tpu.memory_space<vmem>>, vector<64x128xf32>
      tpu.vector_store %arg20[%swap3A_36, %swap3A_37], %broadcast_in_dim3A_35 {strides = array<i32>} : memref<64x128xf32, #tpu.memory_space<vmem>>, vector<64x128xf32>,
      %broadcast_in_dim3A_39 = arith.constant 0.000000e+00 : f32
      %broadcast_in_dim3A_40 = vector.broadcast %broadcast_in_dim3A_39 : f32 to vector<64x128xf32>
      %swap3A_41 = arith.constant 0 : index
      %swap3A_42 = arith.constant 0 : index
      %swap3A_43 = vector.load %arg21[%swap3A_41, %swap3A_42] : memref<64x128xf32, #tpu.memory_space<vmem>>, vector<64x128xf32>
      tpu.vector_store %arg21[%swap3A_41, %swap3A_42], %broadcast_in_dim3A_40 {strides = array<i32>} : memref<64x128xf32, #tpu.memory_space<vmem>>, vector<64x128xf32>,
      %broadcast_in_dim3A_44 = arith.constant 0.000000e+00 : f32
      %broadcast_in_dim3A_45 = vector.broadcast %broadcast_in_dim3A_44 : f32 to vector<64x1xf32>
      %swap3A_46 = arith.constant 0 : index
      %swap3A_47 = arith.constant 0 : index
      %swap3A_48 = vector.load %arg22[%swap3A_46, %swap3A_47] : memref<64x1xf32, #tpu.memory_space<vmem>>, vector<64x1xf32>
      tpu.vector_store %arg22[%swap3A_46, %swap3A_47], %broadcast_in_dim3A_45 {strides = array<i32>} : memref<64x1xf32, #tpu.memory_space<vmem>>, vector<64x1xf32>,
    } else {
    }
    %get3A = arith.constant 0 : index
    %get3A_4 = arith.constant 0 : index
    %get3A_5 = arith.constant 0 : index
    %get3A_6 = vector.load %arg11[%get3A, %get3A_4, %get3A_5] : memref<1x1x1000xi32, #tpu.memory_space<vmem>>, vector<1x1x1000xi32>
    %get3A_7 = vector.shape_cast %get3A_6 : vector<1x1x1000xi32> to vector<1000xi32>
    %broadcast_in_dim3A = vector.shape_cast %get3A_7 : vector<1000xi32> to vector<1x1000xi32>
    %iota3A = tpu.iota {dimensions = array<i32: 0>} : vector<64x1000xi32>
    %eq3A_8 = vector.broadcast %broadcast_in_dim3A : vector<1x1000xi32> to vector<64x1000xi32>
    %eq3A_9 = arith.cmpi eq, %eq3A_8, %iota3A : vector<64x1000xi32>
    %convert_element_type3A_10 = arith.extui %eq3A_9 : vector<64x1000xi1> to vector<64x1000xi32>
    %convert_element_type3A_11 = arith.sitofp %convert_element_type3A_10 : vector<64x1000xi32> to vector<64x1000xf32>
    %eq3A_12 = arith.constant 0 : i32
    %eq3A_13 = arith.cmpi eq, %arg0, %eq3A_12 : i32
    %convert_element_type3A_14 = arith.extui %eq3A_13 : i1 to i32
    %cond3A_15 = arith.constant 0 : i32
    %cond3A_16 = arith.cmpi ne, %convert_element_type3A_14, %cond3A_15 : i32
    scf.if %cond3A_16 {
      %get3A_30 = arith.constant 0 : index
      %get3A_31 = arith.constant 0 : index
      %get3A_32 = arith.constant 0 : index
      %get3A_33 = vector.load %arg3[%get3A_30, %get3A_31, %get3A_32] : memref<1x1x1000xf32, #tpu.memory_space<vmem>>, vector<1x1x1000xf32>
      %get3A_34 = vector.shape_cast %get3A_33 : vector<1x1x1000xf32> to vector<1000xf32>
      %get3A_35 = arith.constant 0 : index
      %get3A_36 = arith.constant 0 : index
      %get3A_37 = arith.constant 0 : index
      %get3A_38 = vector.load %arg4[%get3A_35, %get3A_36, %get3A_37] : memref<1x1x1000xf32, #tpu.memory_space<vmem>>, vector<1x1x1000xf32>
      %get3A_39 = vector.shape_cast %get3A_38 : vector<1x1x1000xf32> to vector<1000xf32>
      %add3A = arith.addf %get3A_34, %get3A_39 : vector<1000xf32>
      %max3A = arith.constant 1.000000e+00 : f32
      %max3A_40 = vector.broadcast %max3A : f32 to vector<1000xf32>
      %max3A_41 = arith.maximumf %add3A, %max3A_40 : vector<1000xf32>
      %div3A = arith.constant 1.000000e+00 : f32
      %div3A_42 = vector.broadcast %div3A : f32 to vector<1000xf32>
      %div3A_43 = arith.divf %div3A_42, %max3A_41 : vector<1000xf32>
      %get3A_44 = arith.constant 0 : index
      %get3A_45 = arith.constant 0 : index
      %get3A_46 = arith.constant 0 : index
      %get3A_47 = vector.load %arg2[%get3A_44, %get3A_45, %get3A_46] : memref<2x1000x128xf32, #tpu.memory_space<vmem>>, vector<2x1000x128xf32>
      %slice3A = vector.extract_strided_slice %get3A_47 {offsets = [0, 0, 0], sizes = [1, 1000, 128], strides = [1, 1, 1]} : vector<2x1000x128xf32> to vector<1x1000x128xf32>
      %squeeze3A = vector.shape_cast %slice3A : vector<1x1000x128xf32> to vector<1000x128xf32>
      %slice3A_48 = vector.extract_strided_slice %get3A_47 {offsets = [1, 0, 0], sizes = [1, 1000, 128], strides = [1, 1, 1]} : vector<2x1000x128xf32> to vector<1x1000x128xf32>
      %squeeze3A_49 = vector.shape_cast %slice3A_48 : vector<1x1000x128xf32> to vector<1000x128xf32>
      %add3A_50 = arith.addf %squeeze3A, %squeeze3A_49 : vector<1000x128xf32>
      %broadcast_in_dim3A_51 = vector.shape_cast %div3A_43 : vector<1000xf32> to vector<1000x1xf32>
      %mul3A = vector.broadcast %broadcast_in_dim3A_51 : vector<1000x1xf32> to vector<1000x128xf32>
      %mul3A_52 = arith.mulf %add3A_50, %mul3A : vector<1000x128xf32>
      %get3A_53 = arith.constant 0 : index
      %get3A_54 = arith.constant 0 : index
      %get3A_55 = vector.load %arg5[%get3A_53, %get3A_54] : memref<1000x128xf32, #tpu.memory_space<vmem>>, vector<1000x128xf32>
      %get3A_56 = arith.constant 0 : index
      %get3A_57 = arith.constant 0 : index
      %get3A_58 = vector.load %arg6[%get3A_56, %get3A_57] : memref<128x128xf32, #tpu.memory_space<vmem>>, vector<128x128xf32>
      %dot_general3A = arith.constant dense<0.000000e+00> : vector<1000x128xf32>
      %dot_general3A_59 = tpu.matmul %mul3A_52, %get3A_58, %dot_general3A {dimension_numbers = #tpu.dot_dimension_numbers<[1], [0], [0], [1], [0, 0, 1, 1], [], []>, precision = #tpu.contract_precision<fp32>, transpose_lhs_hint = false} : vector<1000x128xf32>, vector<128x128xf32>, vector<1000x128xf32> -> vector<1000x128xf32>
      %get3A_60 = arith.constant 0 : index
      %get3A_61 = arith.constant 0 : index
      %get3A_62 = vector.load %arg7[%get3A_60, %get3A_61] : memref<128x128xf32, #tpu.memory_space<vmem>>, vector<128x128xf32>
      %dot_general3A_63 = arith.constant dense<0.000000e+00> : vector<1000x128xf32>
      %dot_general3A_64 = tpu.matmul %get3A_55, %get3A_62, %dot_general3A_63 {dimension_numbers = #tpu.dot_dimension_numbers<[1], [0], [0], [1], [0, 0, 1, 1], [], []>, precision = #tpu.contract_precision<fp32>, transpose_lhs_hint = false} : vector<1000x128xf32>, vector<128x128xf32>, vector<1000x128xf32> -> vector<1000x128xf32>
      %add3A_65 = arith.addf %dot_general3A_59, %dot_general3A_64 : vector<1000x128xf32>
      %get3A_66 = arith.constant 0 : index
      %get3A_67 = arith.constant 0 : index
      %get3A_68 = vector.load %arg8[%get3A_66, %get3A_67] : memref<1x128xf32, #tpu.memory_space<vmem>>, vector<1x128xf32>
      %add3A_69 = vector.broadcast %get3A_68 : vector<1x128xf32> to vector<1000x128xf32>
      %add3A_70 = arith.addf %add3A_65, %add3A_69 : vector<1000x128xf32>
      %mul3A_71 = arith.constant 1000 : i32
      %mul3A_72 = arith.muli %arg1, %mul3A_71 : i32
      %swap3A = arith.index_cast %mul3A_72 : i32 to index
      %swap3A_73 = arith.constant 0 : index
      %swap3A_74 = vector.load %arg18[%swap3A, %swap3A_73] : memref<10000x128xf32, #tpu.memory_space<vmem>>, vector<1000x128xf32>
      tpu.vector_store %arg18[%swap3A, %swap3A_73], %add3A_70 {strides = array<i32>} : memref<10000x128xf32, #tpu.memory_space<vmem>>, vector<1000x128xf32>,
      %get3A_75 = arith.constant 0 : index
      %get3A_76 = arith.constant 0 : index
      %get3A_77 = vector.load %arg19[%get3A_75, %get3A_76] : memref<8x128xf32, #tpu.memory_space<vmem>>, vector<1x128xf32>
      %reduce_sum3A = arith.constant dense<0.000000e+00> : vector<128xf32>
      %reduce_sum3A_78 = vector.multi_reduction <add>, %add3A_70, %reduce_sum3A [0] : vector<1000x128xf32> to vector<128xf32>
      %broadcast_in_dim3A_79 = vector.shape_cast %reduce_sum3A_78 : vector<128xf32> to vector<1x128xf32>
      %add3A_80 = arith.addf %get3A_77, %broadcast_in_dim3A_79 : vector<1x128xf32>
      %swap3A_81 = arith.constant 0 : index
      %swap3A_82 = arith.constant 0 : index
      %swap3A_83 = vector.load %arg19[%swap3A_81, %swap3A_82] : memref<8x128xf32, #tpu.memory_space<vmem>>, vector<1x128xf32>
      tpu.vector_store %arg19[%swap3A_81, %swap3A_82], %add3A_80 {strides = array<i32>} : memref<8x128xf32, #tpu.memory_space<vmem>>, vector<1x128xf32>,
      %get3A_84 = arith.constant 1 : index
      %get3A_85 = arith.constant 0 : index
      %get3A_86 = vector.load %arg19[%get3A_84, %get3A_85] : memref<8x128xf32, #tpu.memory_space<vmem>>, vector<1x128xf32>
      %mul3A_87 = arith.mulf %add3A_70, %add3A_70 : vector<1000x128xf32>
      %reduce_sum3A_88 = arith.constant dense<0.000000e+00> : vector<128xf32>
      %reduce_sum3A_89 = vector.multi_reduction <add>, %mul3A_87, %reduce_sum3A_88 [0] : vector<1000x128xf32> to vector<128xf32>
      %broadcast_in_dim3A_90 = vector.shape_cast %reduce_sum3A_89 : vector<128xf32> to vector<1x128xf32>
      %add3A_91 = arith.addf %get3A_86, %broadcast_in_dim3A_90 : vector<1x128xf32>
      %swap3A_92 = arith.constant 1 : index
      %swap3A_93 = arith.constant 0 : index
      %swap3A_94 = vector.load %arg19[%swap3A_92, %swap3A_93] : memref<8x128xf32, #tpu.memory_space<vmem>>, vector<1x128xf32>
      tpu.vector_store %arg19[%swap3A_92, %swap3A_93], %add3A_91 {strides = array<i32>} : memref<8x128xf32, #tpu.memory_space<vmem>>, vector<1x128xf32>,
      %get3A_95 = arith.constant 0 : index
      %get3A_96 = arith.constant 0 : index
      %get3A_97 = vector.load %arg20[%get3A_95, %get3A_96] : memref<64x128xf32, #tpu.memory_space<vmem>>, vector<64x128xf32>
      %dot_general3A_98 = arith.constant dense<0.000000e+00> : vector<64x128xf32>
      %dot_general3A_99 = tpu.matmul %convert_element_type3A_11, %get3A_55, %dot_general3A_98 {dimension_numbers = #tpu.dot_dimension_numbers<[1], [0], [0], [1], [0, 0, 1, 1], [], []>, precision = #tpu.contract_precision<fp32>, transpose_lhs_hint = false} : vector<64x1000xf32>, vector<1000x128xf32>, vector<64x128xf32> -> vector<64x128xf32>
      %add3A_100 = arith.addf %get3A_97, %dot_general3A_99 : vector<64x128xf32>
      %swap3A_101 = arith.constant 0 : index
      %swap3A_102 = arith.constant 0 : index
      %swap3A_103 = vector.load %arg20[%swap3A_101, %swap3A_102] : memref<64x128xf32, #tpu.memory_space<vmem>>, vector<64x128xf32>
      tpu.vector_store %arg20[%swap3A_101, %swap3A_102], %add3A_100 {strides = array<i32>} : memref<64x128xf32, #tpu.memory_space<vmem>>, vector<64x128xf32>,
      %get3A_104 = arith.constant 0 : index
      %get3A_105 = arith.constant 0 : index
      %get3A_106 = vector.load %arg22[%get3A_104, %get3A_105] : memref<64x1xf32, #tpu.memory_space<vmem>>, vector<64x1xf32>
      %reduce_sum3A_107 = arith.constant dense<0.000000e+00> : vector<64xf32>
      %reduce_sum3A_108 = vector.multi_reduction <add>, %convert_element_type3A_11, %reduce_sum3A_107 [1] : vector<64x1000xf32> to vector<64xf32>
      %broadcast_in_dim3A_109 = vector.shape_cast %reduce_sum3A_108 : vector<64xf32> to vector<64x1xf32>
      %add3A_110 = arith.addf %get3A_106, %broadcast_in_dim3A_109 : vector<64x1xf32>
      %swap3A_111 = arith.constant 0 : index
      %swap3A_112 = arith.constant 0 : index
      %swap3A_113 = vector.load %arg22[%swap3A_111, %swap3A_112] : memref<64x1xf32, #tpu.memory_space<vmem>>, vector<64x1xf32>
      tpu.vector_store %arg22[%swap3A_111, %swap3A_112], %add3A_110 {strides = array<i32>} : memref<64x1xf32, #tpu.memory_space<vmem>>, vector<64x1xf32>,
    } else {
    }
    %eq3A_17 = arith.constant 1 : i32
    %eq3A_18 = arith.cmpi eq, %arg0, %eq3A_17 : i32
    %convert_element_type3A_19 = arith.extui %eq3A_18 : i1 to i32
    %cond3A_20 = arith.constant 0 : i32
    %cond3A_21 = arith.cmpi ne, %convert_element_type3A_19, %cond3A_20 : i32
    scf.if %cond3A_21 {
      %get3A_30 = arith.constant 0 : index
      %get3A_31 = arith.constant 0 : index
      %get3A_32 = vector.load %arg19[%get3A_30, %get3A_31] : memref<8x128xf32, #tpu.memory_space<vmem>>, vector<1x128xf32>
      %mul3A = arith.constant 9.99999974E-5 : f32
      %mul3A_33 = vector.broadcast %mul3A : f32 to vector<1x128xf32>
      %mul3A_34 = arith.mulf %get3A_32, %mul3A_33 : vector<1x128xf32>
      %get3A_35 = arith.constant 1 : index
      %get3A_36 = arith.constant 0 : index
      %get3A_37 = vector.load %arg19[%get3A_35, %get3A_36] : memref<8x128xf32, #tpu.memory_space<vmem>>, vector<1x128xf32>
      %mul3A_38 = arith.constant 9.99999974E-5 : f32
      %mul3A_39 = vector.broadcast %mul3A_38 : f32 to vector<1x128xf32>
      %mul3A_40 = arith.mulf %get3A_37, %mul3A_39 : vector<1x128xf32>
      %mul3A_41 = arith.mulf %mul3A_34, %mul3A_34 : vector<1x128xf32>
      %sub3A = arith.subf %mul3A_40, %mul3A_41 : vector<1x128xf32>
      %add3A = arith.constant 9.99999974E-6 : f32
      %add3A_42 = vector.broadcast %add3A : f32 to vector<1x128xf32>
      %add3A_43 = arith.addf %sub3A, %add3A_42 : vector<1x128xf32>
      %rsqrt3A = math.rsqrt %add3A_43 : vector<1x128xf32>
      %mul3A_44 = arith.constant 1000 : i32
      %mul3A_45 = arith.muli %arg1, %mul3A_44 : i32
      %get3A_46 = arith.index_cast %mul3A_45 : i32 to index
      %get3A_47 = arith.constant 0 : index
      %get3A_48 = vector.load %arg18[%get3A_46, %get3A_47] : memref<10000x128xf32, #tpu.memory_space<vmem>>, vector<1000x128xf32>
      %sub3A_49 = vector.broadcast %mul3A_34 : vector<1x128xf32> to vector<1000x128xf32>
      %sub3A_50 = arith.subf %get3A_48, %sub3A_49 : vector<1000x128xf32>
      %get3A_51 = arith.constant 0 : index
      %get3A_52 = arith.constant 0 : index
      %get3A_53 = vector.load %arg9[%get3A_51, %get3A_52] : memref<1x128xf32, #tpu.memory_space<vmem>>, vector<1x128xf32>
      %mul3A_54 = arith.mulf %rsqrt3A, %get3A_53 : vector<1x128xf32>
      %mul3A_55 = vector.broadcast %mul3A_54 : vector<1x128xf32> to vector<1000x128xf32>
      %mul3A_56 = arith.mulf %sub3A_50, %mul3A_55 : vector<1000x128xf32>
      %get3A_57 = arith.constant 0 : index
      %get3A_58 = arith.constant 0 : index
      %get3A_59 = vector.load %arg10[%get3A_57, %get3A_58] : memref<1x128xf32, #tpu.memory_space<vmem>>, vector<1x128xf32>
      %add3A_60 = vector.broadcast %get3A_59 : vector<1x128xf32> to vector<1000x128xf32>
      %add3A_61 = arith.addf %mul3A_56, %add3A_60 : vector<1000x128xf32>
      %max3A = arith.constant 0.000000e+00 : f32
      %max3A_62 = vector.broadcast %max3A : f32 to vector<1000x128xf32>
      %max3A_63 = arith.maximumf %add3A_61, %max3A_62 : vector<1000x128xf32>
      %get3A_64 = arith.constant 0 : index
      %get3A_65 = arith.constant 0 : index
      %get3A_66 = vector.load %arg21[%get3A_64, %get3A_65] : memref<64x128xf32, #tpu.memory_space<vmem>>, vector<64x128xf32>
      %dot_general3A = arith.constant dense<0.000000e+00> : vector<64x128xf32>
      %dot_general3A_67 = tpu.matmul %convert_element_type3A_11, %max3A_63, %dot_general3A {dimension_numbers = #tpu.dot_dimension_numbers<[1], [0], [0], [1], [0, 0, 1, 1], [], []>, precision = #tpu.contract_precision<fp32>, transpose_lhs_hint = false} : vector<64x1000xf32>, vector<1000x128xf32>, vector<64x128xf32> -> vector<64x128xf32>
      %add3A_68 = arith.addf %get3A_66, %dot_general3A_67 : vector<64x128xf32>
      %swap3A = arith.constant 0 : index
      %swap3A_69 = arith.constant 0 : index
      %swap3A_70 = vector.load %arg21[%swap3A, %swap3A_69] : memref<64x128xf32, #tpu.memory_space<vmem>>, vector<64x128xf32>
      tpu.vector_store %arg21[%swap3A, %swap3A_69], %add3A_68 {strides = array<i32>} : memref<64x128xf32, #tpu.memory_space<vmem>>, vector<64x128xf32>,
    } else {
    }
    %eq3A_22 = arith.constant 1 : i32
    %eq3A_23 = arith.cmpi eq, %arg0, %eq3A_22 : i32
    %eq3A_24 = arith.constant 9 : i32
    %eq3A_25 = arith.cmpi eq, %arg1, %eq3A_24 : i32
    %and3A_26 = arith.andi %eq3A_23, %eq3A_25 : i1
    %convert_element_type3A_27 = arith.extui %and3A_26 : i1 to i32
    %cond3A_28 = arith.constant 0 : i32
    %cond3A_29 = arith.cmpi ne, %convert_element_type3A_27, %cond3A_28 : i32
    scf.if %cond3A_29 {
      %get3A_30 = arith.constant 0 : index
      %get3A_31 = arith.constant 0 : index
      %get3A_32 = vector.load %arg22[%get3A_30, %get3A_31] : memref<64x1xf32, #tpu.memory_space<vmem>>, vector<64x1xf32>
      %max3A = arith.constant 1.000000e+00 : f32
      %max3A_33 = vector.broadcast %max3A : f32 to vector<64x1xf32>
      %max3A_34 = arith.maximumf %get3A_32, %max3A_33 : vector<64x1xf32>
      %get3A_35 = arith.constant 0 : index
      %get3A_36 = arith.constant 0 : index
      %get3A_37 = vector.load %arg20[%get3A_35, %get3A_36] : memref<64x128xf32, #tpu.memory_space<vmem>>, vector<64x128xf32>
      %div3A = vector.broadcast %max3A_34 : vector<64x1xf32> to vector<64x128xf32>
      %div3A_38 = arith.divf %get3A_37, %div3A : vector<64x128xf32>
      %get3A_39 = arith.constant 0 : index
      %get3A_40 = arith.constant 0 : index
      %get3A_41 = vector.load %arg21[%get3A_39, %get3A_40] : memref<64x128xf32, #tpu.memory_space<vmem>>, vector<64x128xf32>
      %div3A_42 = vector.broadcast %max3A_34 : vector<64x1xf32> to vector<64x128xf32>
      %div3A_43 = arith.divf %get3A_41, %div3A_42 : vector<64x128xf32>
      %get3A_44 = arith.constant 0 : index
      %get3A_45 = arith.constant 0 : index
      %get3A_46 = vector.load %arg12[%get3A_44, %get3A_45] : memref<128x128xf32, #tpu.memory_space<vmem>>, vector<128x128xf32>
      %dot_general3A = arith.constant dense<0.000000e+00> : vector<64x128xf32>
      %dot_general3A_47 = tpu.matmul %div3A_38, %get3A_46, %dot_general3A {dimension_numbers = #tpu.dot_dimension_numbers<[1], [0], [0], [1], [0, 0, 1, 1], [], []>, precision = #tpu.contract_precision<fp32>, transpose_lhs_hint = false} : vector<64x128xf32>, vector<128x128xf32>, vector<64x128xf32> -> vector<64x128xf32>
      %get3A_48 = arith.constant 0 : index
      %get3A_49 = arith.constant 0 : index
      %get3A_50 = vector.load %arg13[%get3A_48, %get3A_49] : memref<128x128xf32, #tpu.memory_space<vmem>>, vector<128x128xf32>
      %dot_general3A_51 = arith.constant dense<0.000000e+00> : vector<64x128xf32>
      %dot_general3A_52 = tpu.matmul %div3A_43, %get3A_50, %dot_general3A_51 {dimension_numbers = #tpu.dot_dimension_numbers<[1], [0], [0], [1], [0, 0, 1, 1], [], []>, precision = #tpu.contract_precision<fp32>, transpose_lhs_hint = false} : vector<64x128xf32>, vector<128x128xf32>, vector<64x128xf32> -> vector<64x128xf32>
      %add3A = arith.addf %dot_general3A_47, %dot_general3A_52 : vector<64x128xf32>
      %get3A_53 = arith.constant 0 : index
      %get3A_54 = arith.constant 0 : index
      %get3A_55 = vector.load %arg14[%get3A_53, %get3A_54] : memref<1x128xf32, #tpu.memory_space<vmem>>, vector<1x128xf32>
      %add3A_56 = vector.broadcast %get3A_55 : vector<1x128xf32> to vector<64x128xf32>
      %add3A_57 = arith.addf %add3A, %add3A_56 : vector<64x128xf32>
      %max3A_58 = arith.constant 0.000000e+00 : f32
      %max3A_59 = vector.broadcast %max3A_58 : f32 to vector<64x128xf32>
      %max3A_60 = arith.maximumf %add3A_57, %max3A_59 : vector<64x128xf32>
      %get3A_61 = arith.constant 0 : index
      %get3A_62 = arith.constant 0 : index
      %get3A_63 = vector.load %arg15[%get3A_61, %get3A_62] : memref<128x128xf32, #tpu.memory_space<vmem>>, vector<128x128xf32>
      %dot_general3A_64 = arith.constant dense<0.000000e+00> : vector<64x128xf32>
      %dot_general3A_65 = tpu.matmul %max3A_60, %get3A_63, %dot_general3A_64 {dimension_numbers = #tpu.dot_dimension_numbers<[1], [0], [0], [1], [0, 0, 1, 1], [], []>, precision = #tpu.contract_precision<fp32>, transpose_lhs_hint = false} : vector<64x128xf32>, vector<128x128xf32>, vector<64x128xf32> -> vector<64x128xf32>
      %get3A_66 = arith.constant 0 : index
      %get3A_67 = arith.constant 0 : index
      %get3A_68 = vector.load %arg16[%get3A_66, %get3A_67] : memref<1x128xf32, #tpu.memory_space<vmem>>, vector<1x128xf32>
      %add3A_69 = vector.broadcast %get3A_68 : vector<1x128xf32> to vector<64x128xf32>
      %add3A_70 = arith.addf %dot_general3A_65, %add3A_69 : vector<64x128xf32>
      %swap3A = arith.constant 0 : index
      %swap3A_71 = arith.constant 0 : index
      %swap3A_72 = vector.load %arg17[%swap3A, %swap3A_71] : memref<64x128xf32, #tpu.memory_space<vmem>>, vector<64x128xf32>
      tpu.vector_store %arg17[%swap3A, %swap3A_71], %add3A_70 {strides = array<i32>} : memref<64x128xf32, #tpu.memory_space<vmem>>, vector<64x128xf32>,
    } else {
    }
    return
  }
  func.func @transform_0(%arg0: i32, %arg1: i32) -> (i32, i32, i32) {
    %sub3A = arith.constant 1 : i32
    %sub3A_0 = arith.subi %sub3A, %arg0 : i32
    %mul3A = arith.muli %arg1, %sub3A_0 : i32
    %mul3A_1 = arith.constant 9 : i32
    %mul3A_2 = arith.muli %mul3A_1, %arg0 : i32
    %add3A = arith.addi %mul3A, %mul3A_2 : i32
    %c0_i32 = arith.constant 0 : i32
    %c0_i32_3 = arith.constant 0 : i32
    %c0_i32_4 = arith.constant 0 : i32
    return %c0_i32, %add3A, %c0_i32_3 : i32, i32, i32
  }
  func.func @transform_1(%arg0: i32, %arg1: i32) -> (i32, i32, i32) {
    %sub3A = arith.constant 1 : i32
    %sub3A_0 = arith.subi %sub3A, %arg0 : i32
    %mul3A = arith.muli %arg1, %sub3A_0 : i32
    %mul3A_1 = arith.constant 9 : i32
    %mul3A_2 = arith.muli %mul3A_1, %arg0 : i32
    %add3A = arith.addi %mul3A, %mul3A_2 : i32
    %c0_i32 = arith.constant 0 : i32
    %c0_i32_3 = arith.constant 0 : i32
    %c0_i32_4 = arith.constant 0 : i32
    return %add3A, %c0_i32, %c0_i32_3 : i32, i32, i32
  }
  func.func @transform_2(%arg0: i32, %arg1: i32) -> (i32, i32, i32) {
    %sub3A = arith.constant 1 : i32
    %sub3A_0 = arith.subi %sub3A, %arg0 : i32
    %mul3A = arith.muli %arg1, %sub3A_0 : i32
    %mul3A_1 = arith.constant 9 : i32
    %mul3A_2 = arith.muli %mul3A_1, %arg0 : i32
    %add3A = arith.addi %mul3A, %mul3A_2 : i32
    %c0_i32 = arith.constant 0 : i32
    %c0_i32_3 = arith.constant 0 : i32
    %c0_i32_4 = arith.constant 0 : i32
    return %add3A, %c0_i32, %c0_i32_3 : i32, i32, i32
  }
  func.func @transform_3(%arg0: i32, %arg1: i32) -> (i32, i32) {
    %sub3A = arith.constant 1 : i32
    %sub3A_0 = arith.subi %sub3A, %arg0 : i32
    %mul3A = arith.muli %arg1, %sub3A_0 : i32
    %mul3A_1 = arith.constant 9 : i32
    %mul3A_2 = arith.muli %mul3A_1, %arg0 : i32
    %add3A = arith.addi %mul3A, %mul3A_2 : i32
    %c0_i32 = arith.constant 0 : i32
    %c0_i32_3 = arith.constant 0 : i32
    return %add3A, %c0_i32 : i32, i32
  }
  func.func @transform_4(%arg0: i32, %arg1: i32) -> (i32, i32) {
    %c0_i32 = arith.constant 0 : i32
    %c0_i32_0 = arith.constant 0 : i32
    %c0_i32_1 = arith.constant 0 : i32
    return %c0_i32, %c0_i32_0 : i32, i32
  }
  func.func @transform_5(%arg0: i32, %arg1: i32) -> (i32, i32) {
    %c0_i32 = arith.constant 0 : i32
    %c0_i32_0 = arith.constant 0 : i32
    %c0_i32_1 = arith.constant 0 : i32
    return %c0_i32, %c0_i32_0 : i32, i32
  }
  func.func @transform_6(%arg0: i32, %arg1: i32) -> (i32, i32) {
    %c0_i32 = arith.constant 0 : i32
    %c0_i32_0 = arith.constant 0 : i32
    %c0_i32_1 = arith.constant 0 : i32
    return %c0_i32, %c0_i32_0 : i32, i32
  }
  func.func @transform_7(%arg0: i32, %arg1: i32) -> (i32, i32) {
    %c0_i32 = arith.constant 0 : i32
    %c0_i32_0 = arith.constant 0 : i32
    %c0_i32_1 = arith.constant 0 : i32
    return %c0_i32, %c0_i32_0 : i32, i32
  }
  func.func @transform_8(%arg0: i32, %arg1: i32) -> (i32, i32) {
    %c0_i32 = arith.constant 0 : i32
    %c0_i32_0 = arith.constant 0 : i32
    %c0_i32_1 = arith.constant 0 : i32
    return %c0_i32, %c0_i32_0 : i32, i32
  }
  func.func @transform_9(%arg0: i32, %arg1: i32) -> (i32, i32, i32) {
    %c0_i32 = arith.constant 0 : i32
    %c0_i32_0 = arith.constant 0 : i32
    %c0_i32_1 = arith.constant 0 : i32
    return %arg1, %c0_i32, %c0_i32_0 : i32, i32, i32
  }
  func.func @transform_10(%arg0: i32, %arg1: i32) -> (i32, i32) {
    %c0_i32 = arith.constant 0 : i32
    %c0_i32_0 = arith.constant 0 : i32
    %c0_i32_1 = arith.constant 0 : i32
    return %c0_i32, %c0_i32_0 : i32, i32
  }
  func.func @transform_11(%arg0: i32, %arg1: i32) -> (i32, i32) {
    %c0_i32 = arith.constant 0 : i32
    %c0_i32_0 = arith.constant 0 : i32
    %c0_i32_1 = arith.constant 0 : i32
    return %c0_i32, %c0_i32_0 : i32, i32
  }
  func.func @transform_12(%arg0: i32, %arg1: i32) -> (i32, i32) {
    %c0_i32 = arith.constant 0 : i32
    %c0_i32_0 = arith.constant 0 : i32
    %c0_i32_1 = arith.constant 0 : i32
    return %c0_i32, %c0_i32_0 : i32, i32
  }
  func.func @transform_13(%arg0: i32, %arg1: i32) -> (i32, i32) {
    %c0_i32 = arith.constant 0 : i32
    %c0_i32_0 = arith.constant 0 : i32
    %c0_i32_1 = arith.constant 0 : i32
    return %c0_i32, %c0_i32_0 : i32, i32
  }
  func.func @transform_14(%arg0: i32, %arg1: i32) -> (i32, i32) {
    %c0_i32 = arith.constant 0 : i32
    %c0_i32_0 = arith.constant 0 : i32
    %c0_i32_1 = arith.constant 0 : i32
    return %c0_i32, %c0_i32_0 : i32, i32
  }
  func.func @transform_15(%arg0: i32, %arg1: i32) -> (i32, i32) {
    %c0_i32 = arith.constant 0 : i32
    %c0_i32_0 = arith.constant 0 : i32
    %c0_i32_1 = arith.constant 0 : i32
    return %c0_i32, %c0_i32_0 : i32, i32
  }
}

</mosaic_0001>

<sc_bundles>
// kernel: kernel.10.cloned.1.call-start
scs
__scs_entry_jumppad:
0x0: {  	(pc) =	sbr.rel $0x88, $3  }
0x1: {  	(tag) =	ssettag $0x0;
	lr =	simm.s32 $0x1  }
0x2: {  	[smem:$0x3F92] =	sst lr;
	_ =	strace $0xD0000000  }
0x3: {  	_ = 	snop  }
0x4: {  	_ = 	snop  }
0x5: {  	_ = 	snop  }
0x6: {  	_ = 	snop  }
0x7: {  	_ = 	snop  }
__scs_overlays_trampoline_lowered:
0x8: {  	[smem:$0x3FA1] =	sst s0  }
0x9: {  	[smem:$0x3FA2] =	sst s1  }
0xa: {  	[smem:$0x3FA3] =	sst s2  }
0xb: {  	[smem:$0x3FA4] =	sst s3  }
0xc: {  	[smem:$0x3FA5] =	sst s4  }
0xd: {  	[smem:$0x3FA6] =	sst s5  }
0xe: {  	[smem:$0x3FA7] =	sst s6  }
0xf: {  	[smem:$0x3FA8] =	sst s7  }
0x10: {  	[smem:$0x3FA9] =	sst s8  }
0x11: {  	[smem:$0x3FAA] =	sst s9;
	s0 =	simm.s32 @!p0 $0x0  }
0x12: {  	s1 =	sld [smem:$0x3F90];
	s0 =	simm.s32 @p0 $0x1  }
0x13: {  	[smem:$0x3FAB] =	sst s0;
	s0 =	simm.s32 @!p1 $0x0  }
0x14: {  	s2 =	sld [smem:$0x3F8F];
	s0 =	simm.s32 @p1 $0x1  }
0x15: {  	[smem:$0x3FAC] =	sst s0;
	s0 =	simm.s32 @!p2 $0x0  }
0x16: {  	s3 =	sld [smem:$0x3FDB];
	s0 =	simm.s32 @p2 $0x1  }
0x17: {  	s4 =	simm.s32 $0x1BF5;
	[smem:$0x3FAE] =	sst s0  }
0x18: {  	s0 =	sld [smem:$0x3F91];
	_ =	swait.ge [sflag:s4], $0x0  }
0x19: {  	s7 =	sld [smem:$0x3F92]  }
0x1a: {  	s8 =	sadd.s32 $0xFFFFE003, lr  }
0x1b: {  	s9 =	sadd.s32 $0xFFFFFEF7, lr;
	s5 =	simm.s32 $0xFFFFFFFF;
	p2 =	slt.u32 s8, $0xFFFFF086  }
0x1c: {  	p1 =	slt.u32 s9, $0xF7A;
	s5 =	simm.s32 @!p2 $0x0  }
0x1d: {  	s5 =	simm.s32 @p1 $0x1;
	p0 =	seq.s32 s7, s2  }
0x1e: {  	s7 =	smul.u32 @!p0 $0xF7A, s2;
	p2 =	seq.s32 @!p0 s5, $0x0  }
0x1f: {  	s9 =	smul.u32 $0xF7A, s1;
	s8 =	simm.s32 @!p0 $0x1BF5;
	p2 =	por !p2, p0  }
0x20: {  	[sflag:s8] =	ssyncset.s32 @!p0 $0xFFFFF086;
	s6 =	sadd.s32 @!p0 s3, s7;
	s7 =	simm.s32 @!p0 $0x108  }
0x21: {  	s3 =	sadd.s32 s3, s9;
	s6 =	sadd.s32 @!p0 $0x88, s6;
	s7 =	simm.s32 @p2 $0x1082  }
0x22: {  	[simem:s7], [sflag:s8] =	dma.local @!p0 [hbm:s6], $0xF7A  }
0x23: {  	s9 =	sor.u32 $0xD0000000, s2;
	s6 =	simm.s32 $0x108;
	_ =	swait.ge @!p0 [sflag:s8], $0x0  }
0x24: {  	s3 =	sadd.s32 $0x88, s3;
	s6 =	simm.s32 @!p1 $0x1082;
	[sflag:s4] =	ssyncset.s32 $0xFFFFF086  }
0x25: {  	[simem:s6], [sflag:s4] =	dma.local [hbm:s3], $0xF7A  }
0x26: {  	[smem:$0x3F92] =	sst s1;
	(tag) =	ssettag s2;
	_ =	strace s9  }
0x27: {  	s1 =	sld [smem:$0x3FA2]  }
0x28: {  	s2 =	sld [smem:$0x3FA3]  }
0x29: {  	s4 =	sld [smem:$0x3FA5]  }
0x2a: {  	p0 =	seq.s32 s5, $0x0;
	s5 =	sld [smem:$0x3FA6]  }
0x2b: {  	s6 =	sld [smem:$0x3FA7]  }
0x2c: {  	s7 =	sld [smem:$0x3FA8]  }
0x2d: {  	s3 =	simm.s32 $0x108;
	s8 =	sld [smem:$0x3FA9]  }
0x2e: {  	s3 =	simm.s32 @!p0 $0x1082;
	s9 =	sld [smem:$0x3FAA]  }
0x2f: {  	lr =	sadd.s32 s0, s3;
	s0 =	sld [smem:$0x3FA1]  }
0x30: {  	s3 =	sld [smem:$0x3FA4]  }
0x31: {  	[smem:$0x3FAD] =	sst s10  }
0x32: {  	s10 =	sld [smem:$0x3FAB];
	_ =	sdelay $0x3  }
0x33: {  	p0 =	seq.s32 s10, $0x1;
	s10 =	sld [smem:$0x3FAD];
	_ =	sdelay $0x3  }
0x34: {  	[smem:$0x3FAD] =	sst s10  }
0x35: {  	s10 =	sld [smem:$0x3FAC];
	_ =	sdelay $0x3  }
0x36: {  	p1 =	seq.s32 s10, $0x1;
	s10 =	sld [smem:$0x3FAD];
	_ =	sdelay $0x3  }
0x37: {  	[smem:$0x3FAD] =	sst s10  }
0x38: {  	s10 =	sld [smem:$0x3FAE]  }
0x39: {  	_ = 	snop;
	(pc) =	sbr.ind lr, $3  }
0x3a: {  	_ = 	snop  }
0x3b: {  	_ = 	snop  }
0x3c: {  	p2 =	seq.s32 s10, $0x1;
	s10 =	sld [smem:$0x3FAD]  }
0x3d: {  	_ =	shalt  }
0x3e: {  	_ =	shalt  }
0x3f: {  	_ =	shalt  }
0x40: {  	_ =	shalt  }
0x41: {  	_ =	shalt  }
0x42: {  	_ =	shalt  }
0x43: {  	_ =	shalt  }
0x44: {  	_ =	shalt  }
0x45: {  	_ =	shalt  }
0x46: {  	_ =	shalt  }
0x47: {  	_ =	shalt  }
0x48: {  	_ =	shalt  }
0x49: {  	_ =	shalt  }
0x4a: {  	_ =	shalt  }
0x4b: {  	_ =	shalt  }
0x4c: {  	_ =	shalt  }
0x4d: {  	_ =	shalt  }
0x4e: {  	_ =	shalt  }
0x4f: {  	_ =	shalt  }
0x50: {  	_ =	shalt  }
0x51: {  	_ =	shalt  }
0x52: {  	_ =	shalt  }
0x53: {  	_ =	shalt  }
0x54: {  	_ =	shalt  }
0x55: {  	_ =	shalt  }
0x56: {  	_ =	shalt  }
0x57: {  	_ =	shalt  }
0x58: {  	_ =	shalt  }
0x59: {  	_ =	shalt  }
0x5a: {  	_ =	shalt  }
0x5b: {  	_ =	shalt  }
0x5c: {  	_ =	shalt  }
0x5d: {  	_ =	shalt  }
0x5e: {  	_ =	shalt  }
0x5f: {  	_ =	shalt  }
0x60: {  	_ =	shalt  }
0x61: {  	_ =	shalt  }
0x62: {  	_ =	shalt  }
0x63: {  	_ =	shalt  }
0x64: {  	_ =	shalt  }
0x65: {  	_ =	shalt  }
0x66: {  	_ =	shalt  }
0x67: {  	_ =	shalt  }
0x68: {  	_ =	shalt  }
0x69: {  	_ =	shalt  }
0x6a: {  	_ =	shalt  }
0x6b: {  	_ =	shalt  }
0x6c: {  	_ =	shalt  }
0x6d: {  	_ =	shalt  }
0x6e: {  	_ =	shalt  }
0x6f: {  	_ =	shalt  }
0x70: {  	_ =	shalt  }
0x71: {  	_ =	shalt  }
0x72: {  	_ =	shalt  }
0x73: {  	_ =	shalt  }
0x74: {  	_ =	shalt  }
0x75: {  	_ =	shalt  }
0x76: {  	_ =	shalt  }
0x77: {  	_ =	shalt  }
0x78: {  	_ =	shalt  }
0x79: {  	_ =	shalt  }
0x7a: {  	_ =	shalt  }
0x7b: {  	_ =	shalt  }
0x7c: {  	_ =	shalt  }
0x7d: {  	_ =	shalt  }
0x7e: {  	_ =	shalt  }
0x7f: {  	_ =	shalt  }
0x80: {  	_ =	shalt  }
0x81: {  	_ =	shalt  }
0x82: {  	_ =	shalt  }
0x83: {  	_ =	shalt  }
0x84: {  	_ =	shalt  }
0x85: {  	_ =	shalt  }
0x86: {  	_ =	shalt  }
0x87: {  	_ =	shalt  }
.Lfunc_end0:
.L_simem_size_0:
called_computation.1_lowered:
.L_overlay_start_0:
0x88: {  	s2 =	sld [smem:$0x3FD9]  }
0x89: {  	s3 =	sld [smem:$0x3FFE];
	_ =	sdelay $0x1  }
0x8a: {  	s1 =	srdreg.scid  }
0x8b: {  	s0 =	sand.u32 $0x1, s1  }
0x8c: {  	s16 =	sshll.u32 s0, $0xA;
	s2 =	sadd.s32 s3, s2  }
0x8d: {  	s2 =	sadd.s32 s2, s16  }
0x8e: {  	[smem:$0x3FB9] =	sst s2  }
0x8f: {  	_ = 	snop  }
0x90: {  	(tm) =	ssettm $0x1  }
0x91: {  	s17 =	sld [smem:$0x3FFB];
	_ =	sdelay $0x3  }
0x92: {  	_ =	strace s17  }
0x93: {  	s2 =	sld [smem:$0x3FFC];
	_ =	sdelay $0x3  }
0x94: {  	_ =	strace s2  }
0x95: {  	s2 =	sld [smem:$0x3FFD];
	_ =	sdelay $0x3  }
0x96: {  	_ =	strace s2  }
0x97: {  	_ =	strace $0x8FFFFFFF  }
0x98: {  	s18 =	sld [smem:$0x3FDB];
	_ =	sdelay $0x1  }
0x99: {  	s19 =	simm.s32 $_scs_section_size  }
0x9a: {  	s4 =	simm.s32 $_size__tile_overlayer_lowered;
	s5 =	simm.s32 $_tile_overlayer_lowered  }
0x9b: {  	s22 =	simm.s32 $0x1BFF;
	s21 =	sshll.u32 s5, $0x1;
	s2 =	sadd.s32 s19, s18  }
0x9c: {  	s6 =	simm.s32 $0x0;
	s20 =	sshll.u32 s4, $0x1;
	s4 =	sadd.s32 s21, s2  }
0x9d: {  	[timem:s6], [sflag:s22] =	dma.local [hbm:s4], s20  }
0x9e: {  	_ =	swait.ge [sflag:s22], s20  }
0x9f: {  	s3 =	ssub.s32 $0x0, s20;
	[sflag:s22] =	ssyncset.done $0x0  }
0xa0: {  	[sflag:s22] =	ssyncadd.s32 s3;
	_ =	sdelay $0x1  }
0xa1: {  	s23 =	simm.s32 $0x1B8B  }
0xa2: {  	_ =	swait.ge [sflag:s23], $0x1  }
0xa3: {  	[sflag:s23] =	ssyncset.done $0x0  }
0xa4: {  	s25 =	simm.s32 $0x1B8E;
	s24 =	sld [smem:$0x3FFE];
	[sflag:s23] =	ssyncadd.s32 $0xFFFFFFFF  }
0xa5: {  	s26 =	simm.s32 $execute0_lowered;
	[smem:$0x3FD2] =	sst s25  }
0xa6: {  	s4 =	sshll.u32 s26, $0x1;
	_ =	strace $0x80000049;
	[dreg:$0x1] =	wrdreg $0xFFFFFFFF  }
0xa7: {  	s28 =	simm.s32 $_size_execute0_lowered;
	s2 =	sadd.s32 s2, s4;
	[dreg:$0x0] =	wrdreg $0x0  }
0xa8: {  	s4 =	sshll.u32 s28, $0x1;
	[dreg:$0x2] =	wrdreg s2  }
0xa9: {  	[dreg:$0x3] =	wrdreg s4  }
0xaa: {  	[dreg:$0x4] =	wrdreg $0xC0  }
0xab: {  	_ =	task [dreg:s6], $0x5FFFF  }
0xac: {  	[dreg:$0x1] =	wrdreg $0xFFFFFFFF  }
0xad: {  	[dreg:$0x0] =	wrdreg $0x60  }
0xae: {  	[dreg:$0x2] =	wrdreg s24  }
0xaf: {  	[dreg:$0x3] =	wrdreg $0x92000  }
0xb0: {  	[dreg:$0x4] =	wrdreg $0x9  }
0xb1: {  	_ =	task.clear_ibuf [dreg:s6], $0x5FFFF;
	_ =	strace $0x90000049  }
0xb2: {  	s29 =	simm.s32 $0x9;
	_ =	strace $0x8000004B  }
0xb3: {  	_ =	swait.ge [sflag:s29], $0x1  }
0xb4: {  	[sflag:s29] =	ssyncadd.s32 $0xFFFFFFFF  }
0xb5: {  	_ =	strace $0x9000004B  }
0xb6: {  	_ =	sfence  }
0xb7: {  	s30 =	sld [smem:$0x0];
	_ =	sdelay $0x2  }
0xb8: {  	s31 =	sshll.u32 s1, $0xD;
	s1 =	sshrl.u32 s1, $0x2  }
0xb9: {  	s3 =	sand.u32 $0x4000, s31;
	s1 =	sadd.s32 s1, s30  }
0xba: {  	s0 =	sor.u32 s3, s0;
	s1 =	sshll.u32 s1, $0x11  }
0xbb: {  	s0 =	sor.u32 s1, s0  }
0xbc: {  	s0 =	sadd.s32 $0x8F2B, s0  }
0xbd: {  	[sflag:s0] =	ssyncadd.remote.s32 $0x1  }
0xbe: {  	_ =	sfence.sel $0xFFFF  }
0xbf: {  	[dreg:$0x0] =	wrdreg $0xFFFFFFFF;
	(pc) =	sbr.abs _section_cstart, $3  }
0xc0: {  	[dreg:$0x1] =	wrdreg $0xFFFFFFFF  }
0xc1: {  	_ =	task.clear_ibuf [dreg:s6], $0x2FFFF;
	_ =	strace $0x9FFFFFFF  }
0xc2: {  	(tm) =	ssettm $0x7FFFFFFF  }
0xc3: {  	_ =	shalt  }
tec
execute0_lowered:
.L_overlay_start_1:
0x0: {  	(tag) =	ssettag $0x1  }
0x1: {  	s6 =	rddreg [dreg:$0x0]  }
0x2: {  	s1 =	rddreg [dreg:$0x1]  }
0x3: {  	s2 =	srdreg.scid;
	s0 =	rddreg [dreg:$0x2]  }
0x4: {  	s3 =	simm.s32 $0x0;
	s13 =	simm.s32 $0x4000;
	s14 =	simm.s32 $0x4200  }
0x5: {  	s15 =	simm.s32 $0x4080;
	s16 =	simm.s32 $0x6A00;
	s17 =	simm.s32 $0x1  }
0x6: {  	s18 =	simm.s32 $0x4100;
	s19 =	simm.s32 $0x2;
	s20 =	simm.s32 $0x4180  }
0x7: {  	s21 =	simm.s32 $0x0;
	s7 =	sand.u32 $0x1, s2;
	s2 =	stileid.u32  }
0x8: {  	[smem:$0x7FF] =	sst s3;
	s4 =	sadd.s32 $0x15200, s6;
	s5 =	smul.u32 $0x140000, s7  }
0x9: {  	s8 =	smul.u32 $0x14000, s2;
	_ =	strace $0x8000004A;
	s9 =	sshll.u32 s2, $0xB  }
0xa: {  	s29 =	ssub.s32 $0x2, s7;
	s12 =	smul.u32 $0x50000, s2;
	s31 =	sshll.u32 s2, $0x6  }
0xb: {  	s7 =	sshll.u32 s7, $0xF;
	s9 =	sadd.s32 s9, s6;
	s11 =	sshrl.u32 s29, $0x1  }
0xc: {  	s5 =	sadd.s32 s8, s5;
	s11 =	ssub.s32 s29, s11;
	s30 =	sshrl.u32 s12, $0x2  }
0xd: {  	s7 =	sadd.s32 s7, s9;
	s10 =	sshrl.u32 s5, $0x3;
	s5 =	sadd.s32 $0x12A00, s6  }
0xe: {  	s12 =	sadd.s32 s30, s1;
	s7 =	sadd.s32 $0x2A00, s7;
	s9 =	smax.u32 s11, $0x1  }
0xf: {  	s11 =	simm.s32 $0x3;
	s10 =	sadd.s32 s10, s6;
	s6 =	sor.u32 $0x1C03, s31  }
0x10: {  	s8 =	sadd.s32 $0x3C400, s10;
	s10 =	sshrl.u32 s12, $0x3;
	s12 =	simm.s32 $0x50  }
.LBB2_1:
0x11: {  	[spmem:s10], [sflag:s6] =	dma.local [hbm:s5], $0x2800  }
0x12: {  	_ =	swait.ge [sflag:s11], $0x2800  }
0x13: {  	[sflag:s11] =	ssyncset.done $0x0  }
0x14: {  	[sflag:s11] =	ssyncadd.s32 $0xFFFFD800  }
0x15: {  	[tilespmem:s3], [sflag:$0x3] =	stream.linear.gather [hbm4b:s7+s3], $0x3E80, $0x38;
	[tilespmem:$0x1D200] =	vst v63  }
0x16: {  	_ =	swait.ge [sflag:s11], $0x3E80  }
0x17: {  	[sflag:s11] =	ssyncset.done $0x0  }
0x18: {  	[sflag:s11] =	ssyncadd.s32 $0xFFFFC180  }
0x19: {  	[bflag:$0x0] =	sbarrier.arrive $0xFFFF  }
0x1a: {  	v0 =	vld [tilespmem:$0x0];
	_ =	sdelay $0x1  }
0x1b: {  	v1 =	vld [tilespmem:$0x10];
	_ =	sdelay $0x1  }
0x1c: {  	v2 =	vld [tilespmem:$0x20]  }
0x1d: {  	v3 =	vand.u32 $0xFFFF, v0  }
0x1e: {  	v0 =	vshrl.u32 v0, $0x10;
	[tilespmem:$0x4000] =	vst v3;
	v3 =	vld [tilespmem:$0x30]  }
0x1f: {  	[tilespmem:$0x4100] =	vst v0;
	v0 =	vand.u32 $0xFFFF, v1  }
0x20: {  	[tilespmem:$0x4010] =	vst v0;
	v0 =	vshrl.u32 v1, $0x10;
	v1 =	vld [tilespmem:$0x40]  }
0x21: {  	[tilespmem:$0x4110] =	vst v0;
	v0 =	vand.u32 $0xFFFF, v2  }
0x22: {  	[tilespmem:$0x4020] =	vst v0;
	v0 =	vshrl.u32 v2, $0x10  }
0x23: {  	[tilespmem:$0x4120] =	vst v0;
	v0 =	vand.u32 $0xFFFF, v3  }
0x24: {  	[tilespmem:$0x4030] =	vst v0;
	v0 =	vshrl.u32 v3, $0x10  }
0x25: {  	[tilespmem:$0x4130] =	vst v0;
	v0 =	vand.u32 $0xFFFF, v1  }
0x26: {  	[tilespmem:$0x4040] =	vst v0;
	v0 =	vshrl.u32 v1, $0x10  }
0x27: {  	s23 =	simm.s32 $0x0;
	[tilespmem:$0x4140] =	vst v0  }
0x28: {  	[tilespmem:s14], [sflag:$0x1] =	stream.indirect.gather [hbm4b:s4+s12], $0x80, s13, s12, $0xb8;
	[tilespmem:$0x1D200] =	vst v63  }
0x29: {  	v0 =	vld [tilespmem:s23+$0x80];
	_ =	sdelay $0x4  }
0x2a: {  	v1 =	vand.u32 $0xFFFF, v0  }
0x2b: {  	v0 =	vshrl.u32 v0, $0x10;
	[tilespmem:$0x4080] =	vst v1  }
0x2c: {  	[tilespmem:$0x4180] =	vst v0  }
0x2d: {  	v0 =	vld [tilespmem:s23+$0x90];
	_ =	sdelay $0x4  }
0x2e: {  	v1 =	vand.u32 $0xFFFF, v0  }
0x2f: {  	v0 =	vshrl.u32 v0, $0x10;
	[tilespmem:$0x4090] =	vst v1  }
0x30: {  	[tilespmem:$0x4190] =	vst v0  }
0x31: {  	v0 =	vld [tilespmem:s23+$0xA0];
	_ =	sdelay $0x4  }
0x32: {  	v1 =	vand.u32 $0xFFFF, v0  }
0x33: {  	v0 =	vshrl.u32 v0, $0x10;
	[tilespmem:$0x40A0] =	vst v1  }
0x34: {  	[tilespmem:$0x41A0] =	vst v0  }
0x35: {  	v0 =	vld [tilespmem:s23+$0xB0];
	_ =	sdelay $0x4  }
0x36: {  	v1 =	vand.u32 $0xFFFF, v0  }
0x37: {  	v0 =	vshrl.u32 v0, $0x10;
	[tilespmem:$0x40B0] =	vst v1  }
0x38: {  	[tilespmem:$0x41B0] =	vst v0  }
0x39: {  	v0 =	vld [tilespmem:s23+$0xC0];
	_ =	sdelay $0x4  }
0x3a: {  	v1 =	vand.u32 $0xFFFF, v0  }
0x3b: {  	v0 =	vshrl.u32 v0, $0x10;
	[tilespmem:$0x40C0] =	vst v1  }
0x3c: {  	[tilespmem:$0x41C0] =	vst v0  }
0x3d: {  	[tilespmem:s16], [sflag:$0x2] =	stream.indirect.gather [hbm4b:s4+s12], $0x80, s15, s12, $0xb8;
	[tilespmem:$0x1D200] =	vst v63  }
0x3e: {  	_ =	swait.ge [sflag:s17], $0x2800  }
0x3f: {  	[sflag:s17] =	ssyncset.done $0x0  }
0x40: {  	[sflag:s17] =	ssyncadd.s32 $0xFFFFD800  }
0x41: {  	[spmem:s1] =	stream.indirect.scatter.add.f32 [tilespmem:s14], [sflag:$0x3], $0x80, s18, s12, $0xb8;
	[tilespmem:$0x1D200] =	vst v63  }
0x42: {  	_ =	swait.ge [sflag:s11], $0x2800  }
0x43: {  	[sflag:s11] =	ssyncset.done $0x0  }
0x44: {  	[sflag:s11] =	ssyncadd.s32 $0xFFFFD800  }
0x45: {  	v0 =	vld [tilespmem:s23+$0x100];
	_ =	sdelay $0x4  }
0x46: {  	v1 =	vand.u32 $0xFFFF, v0  }
0x47: {  	v0 =	vshrl.u32 v0, $0x10;
	[tilespmem:$0x4000] =	vst v1  }
0x48: {  	[tilespmem:$0x4100] =	vst v0  }
0x49: {  	v0 =	vld [tilespmem:s23+$0x110];
	_ =	sdelay $0x4  }
0x4a: {  	v1 =	vand.u32 $0xFFFF, v0  }
0x4b: {  	v0 =	vshrl.u32 v0, $0x10;
	[tilespmem:$0x4010] =	vst v1  }
0x4c: {  	[tilespmem:$0x4110] =	vst v0  }
0x4d: {  	v0 =	vld [tilespmem:s23+$0x120];
	_ =	sdelay $0x4  }
0x4e: {  	v1 =	vand.u32 $0xFFFF, v0  }
0x4f: {  	v0 =	vshrl.u32 v0, $0x10;
	[tilespmem:$0x4020] =	vst v1  }
0x50: {  	[tilespmem:$0x4120] =	vst v0  }
0x51: {  	v0 =	vld [tilespmem:s23+$0x130];
	_ =	sdelay $0x4  }
0x52: {  	v1 =	vand.u32 $0xFFFF, v0  }
0x53: {  	v0 =	vshrl.u32 v0, $0x10;
	[tilespmem:$0x4030] =	vst v1  }
0x54: {  	[tilespmem:$0x4130] =	vst v0  }
0x55: {  	s22 =	simm.s32 $0x400;
	v0 =	vld [tilespmem:s23+$0x140]  }
.LBB2_2:
0x56: {  	_ =	sdelay $0x3  }
0x57: {  	p0 =	sne.s32 s22, $0xF400;
	s23 =	smov.u32 s22;
	s22 =	sadd.s32 $0x400, s22;
	v1 =	vand.u32 $0xFFFF, v0;
	v0 =	vshrl.u32 v0, $0x10  }
0x58: {  	[tilespmem:$0x4040] =	vst v1  }
0x59: {  	[tilespmem:$0x4140] =	vst v0  }
0x5a: {  	[tilespmem:s14], [sflag:$0x1] =	stream.indirect.gather [hbm4b:s4+s12], $0x80, s13, s12, $0xb8;
	[tilespmem:$0x1D200] =	vst v63  }
0x5b: {  	_ =	swait.ge [sflag:s19], $0x2800  }
0x5c: {  	[sflag:s19] =	ssyncset.done $0x0  }
0x5d: {  	[sflag:s19] =	ssyncadd.s32 $0xFFFFD800  }
0x5e: {  	[spmem:s1] =	stream.indirect.scatter.add.f32 [tilespmem:s16], [sflag:$0x3], $0x80, s20, s12, $0xb8;
	[tilespmem:$0x1D200] =	vst v63  }
0x5f: {  	_ =	swait.ge [sflag:s11], $0x2800  }
0x60: {  	[sflag:s11] =	ssyncset.done $0x0  }
0x61: {  	s23 =	sshra.s32 s23, $0x2;
	[sflag:s11] =	ssyncadd.s32 $0xFFFFD800  }
0x62: {  	v0 =	vld [tilespmem:s23+$0x80];
	_ =	sdelay $0x4  }
0x63: {  	v1 =	vand.u32 $0xFFFF, v0;
	v0 =	vshrl.u32 v0, $0x10  }
0x64: {  	[tilespmem:$0x4080] =	vst v1  }
0x65: {  	[tilespmem:$0x4180] =	vst v0  }
0x66: {  	v0 =	vld [tilespmem:s23+$0x90];
	_ =	sdelay $0x4  }
0x67: {  	v1 =	vand.u32 $0xFFFF, v0;
	v0 =	vshrl.u32 v0, $0x10  }
0x68: {  	[tilespmem:$0x4090] =	vst v1  }
0x69: {  	[tilespmem:$0x4190] =	vst v0  }
0x6a: {  	v0 =	vld [tilespmem:s23+$0xA0];
	_ =	sdelay $0x4  }
0x6b: {  	v1 =	vand.u32 $0xFFFF, v0;
	v0 =	vshrl.u32 v0, $0x10  }
0x6c: {  	[tilespmem:$0x40A0] =	vst v1  }
0x6d: {  	[tilespmem:$0x41A0] =	vst v0  }
0x6e: {  	v0 =	vld [tilespmem:s23+$0xB0];
	_ =	sdelay $0x4  }
0x6f: {  	v1 =	vand.u32 $0xFFFF, v0;
	v0 =	vshrl.u32 v0, $0x10  }
0x70: {  	[tilespmem:$0x40B0] =	vst v1  }
0x71: {  	[tilespmem:$0x41B0] =	vst v0  }
0x72: {  	v0 =	vld [tilespmem:s23+$0xC0];
	_ =	sdelay $0x4  }
0x73: {  	v1 =	vand.u32 $0xFFFF, v0;
	v0 =	vshrl.u32 v0, $0x10  }
0x74: {  	[tilespmem:$0x40C0] =	vst v1  }
0x75: {  	[tilespmem:$0x41C0] =	vst v0  }
0x76: {  	[tilespmem:s16], [sflag:$0x2] =	stream.indirect.gather [hbm4b:s4+s12], $0x80, s15, s12, $0xb8;
	[tilespmem:$0x1D200] =	vst v63  }
0x77: {  	_ =	swait.ge [sflag:s17], $0x2800  }
0x78: {  	[sflag:s17] =	ssyncset.done $0x0  }
0x79: {  	[sflag:s17] =	ssyncadd.s32 $0xFFFFD800  }
0x7a: {  	[spmem:s1] =	stream.indirect.scatter.add.f32 [tilespmem:s14], [sflag:$0x3], $0x80, s18, s12, $0xb8;
	[tilespmem:$0x1D200] =	vst v63  }
0x7b: {  	_ =	swait.ge [sflag:s11], $0x2800  }
0x7c: {  	[sflag:s11] =	ssyncset.done $0x0  }
0x7d: {  	[sflag:s11] =	ssyncadd.s32 $0xFFFFD800  }
0x7e: {  	v0 =	vld [tilespmem:s23+$0x100];
	_ =	sdelay $0x4  }
0x7f: {  	v1 =	vand.u32 $0xFFFF, v0;
	v0 =	vshrl.u32 v0, $0x10  }
0x80: {  	[tilespmem:$0x4000] =	vst v1  }
0x81: {  	[tilespmem:$0x4100] =	vst v0  }
0x82: {  	v0 =	vld [tilespmem:s23+$0x110];
	_ =	sdelay $0x4  }
0x83: {  	v1 =	vand.u32 $0xFFFF, v0;
	v0 =	vshrl.u32 v0, $0x10  }
0x84: {  	[tilespmem:$0x4010] =	vst v1  }
0x85: {  	[tilespmem:$0x4110] =	vst v0  }
0x86: {  	v0 =	vld [tilespmem:s23+$0x120];
	_ =	sdelay $0x4  }
0x87: {  	v1 =	vand.u32 $0xFFFF, v0;
	v0 =	vshrl.u32 v0, $0x10  }
0x88: {  	[tilespmem:$0x4020] =	vst v1  }
0x89: {  	[tilespmem:$0x4120] =	vst v0  }
0x8a: {  	v0 =	vld [tilespmem:s23+$0x130];
	_ =	sdelay $0x3  }
.Ltmp0:
0x8b: {  	(pc) =	sbr.rel @p0 .LBB2_2-.Ltmp0, $4  }
0x8c: {  	v1 =	vand.u32 $0xFFFF, v0;
	v0 =	vshrl.u32 v0, $0x10  }
0x8d: {  	[tilespmem:$0x4030] =	vst v1  }
0x8e: {  	[tilespmem:$0x4130] =	vst v0  }
0x8f: {  	v0 =	vld [tilespmem:s23+$0x140]  }
0x90: {  	_ =	sdelay $0x3  }
0x91: {  	v1 =	vand.u32 $0xFFFF, v0  }
0x92: {  	v63 =	vshrl.u32 v0, $0x10;
	[tilespmem:$0x4040] =	vst v1  }
0x93: {  	[tilespmem:$0x4140] =	vst v63  }
0x94: {  	[tilespmem:s14], [sflag:$0x1] =	stream.indirect.gather [hbm4b:s4+s12], $0x80, s13, s12, $0xb8;
	[tilespmem:$0x1D200] =	vst v63  }
0x95: {  	_ =	swait.ge [sflag:s19], $0x2800  }
0x96: {  	[sflag:s19] =	ssyncset.done $0x0  }
0x97: {  	[sflag:s19] =	ssyncadd.s32 $0xFFFFD800  }
0x98: {  	[spmem:s1] =	stream.indirect.scatter.add.f32 [tilespmem:s16], [sflag:$0x3], $0x80, s20, s12, $0xb8;
	[tilespmem:$0x1D200] =	vst v63  }
0x99: {  	_ =	swait.ge [sflag:s11], $0x2800  }
0x9a: {  	[sflag:s11] =	ssyncset.done $0x0  }
0x9b: {  	[sflag:s11] =	ssyncadd.s32 $0xFFFFD800  }
0x9c: {  	_ =	swait.ge [sflag:s17], $0x2800  }
0x9d: {  	[sflag:s17] =	ssyncset.done $0x0  }
0x9e: {  	[sflag:s17] =	ssyncadd.s32 $0xFFFFD800  }
0x9f: {  	[spmem:s1] =	stream.indirect.scatter.add.f32 [tilespmem:s14], [sflag:$0x3], $0x80, s18, s12, $0xb8;
	[tilespmem:$0x1D200] =	vst v63  }
0xa0: {  	_ =	swait.ge [sflag:s11], $0x2800  }
0xa1: {  	s21 =	sadd.s32 $0x1, s21;
	[sflag:s11] =	ssyncset.done $0x0  }
0xa2: {  	p0 =	sne.s32 s21, s9;
	[sflag:s11] =	ssyncadd.s32 $0xFFFFD800  }
.Ltmp1:
0xa3: {  	[bflag:$0x0] =	sbarrier.arrive $0xFFFF;
	(pc) =	sbr.rel @p0 .LBB2_1-.Ltmp1, $4  }
0xa4: {  	[hbm:s8], [sflag:s6] =	dma.local [spmem:s10], $0x2800  }
0xa5: {  	_ =	swait.ge [sflag:s11], $0x2800  }
0xa6: {  	[sflag:s11] =	ssyncset.done $0x0  }
0xa7: {  	[sflag:s11] =	ssyncadd.s32 $0xFFFFD800  }
0xa8: {  	_ =	sfence.sel $0x180000  }
0xa9: {  	[bflag:$0x0] =	sbarrier.arrive $0xFFFF  }
0xaa: {  	p0 =	sne.s32 s2, $0x0;
	_ =	strace $0x9000004A  }
0xab: {  	s0 =	sadd.s32 @!p0 $0x100000, s0;
	[bflag:$0x2] =	sbarrier.arrive $0xFFFF  }
0xac: {  	[sflag:s0] =	ssyncadd.tile.s32 @!p0 $0x1;
	_ =	shalt  }
.Lfunc_end2:
_tile_overlayer_lowered:
.L_overlay_start_2:
0xad: {  	(tag) =	ssettag $0x2  }
0xae: {  	s0 =	rddreg [dreg:$0x0];
	s2 =	stileid.u32  }
0xaf: {  	s1 =	rddreg [dreg:$0x1];
	p0 =	sne.s32 s2, $0x0  }
0xb0: {  	s3 =	rddreg [dreg:$0x2];
	[bflag:$0x3] =	sbarrier.arrive $0xFFFF;
	s2 =	simm.s32 @!p0 $0x1C03  }
0xb1: {  	[timem:s3], [sflag:s2] =	dma.local @!p0 [hbm:s0], s1  }
0xb2: {  	s0 =	simm.s32 @!p0 $0x3  }
0xb3: {  	_ =	swait.ge @!p0 [sflag:s0], s1  }
0xb4: {  	s1 =	ssub.s32 @!p0 $0x0, s1;
	[sflag:s0] =	ssyncset.done @!p0 $0x0  }
0xb5: {  	[sflag:s0] =	ssyncadd.s32 @!p0 s1  }
0xb6: {  	[bflag:$0x3] =	sbarrier.arrive $0xFFFF  }
0xb7: {  	_ =	shalt  }

// kernel: kernel.7.cloned.1.call-start
scs
__scs_entry_jumppad:
0x0: {  	(pc) =	sbr.rel $0x88, $3  }
0x1: {  	(tag) =	ssettag $0x0;
	lr =	simm.s32 $0x1  }
0x2: {  	[smem:$0x3F92] =	sst lr;
	_ =	strace $0xD0000000  }
0x3: {  	_ = 	snop  }
0x4: {  	_ = 	snop  }
0x5: {  	_ = 	snop  }
0x6: {  	_ = 	snop  }
0x7: {  	_ = 	snop  }
__scs_overlays_trampoline_lowered:
0x8: {  	[smem:$0x3FA1] =	sst s0  }
0x9: {  	[smem:$0x3FA2] =	sst s1  }
0xa: {  	[smem:$0x3FA3] =	sst s2  }
0xb: {  	[smem:$0x3FA4] =	sst s3  }
0xc: {  	[smem:$0x3FA5] =	sst s4  }
0xd: {  	[smem:$0x3FA6] =	sst s5  }
0xe: {  	[smem:$0x3FA7] =	sst s6  }
0xf: {  	[smem:$0x3FA8] =	sst s7  }
0x10: {  	[smem:$0x3FA9] =	sst s8  }
0x11: {  	[smem:$0x3FAA] =	sst s9;
	s0 =	simm.s32 @!p0 $0x0  }
0x12: {  	s1 =	sld [smem:$0x3F90];
	s0 =	simm.s32 @p0 $0x1  }
0x13: {  	[smem:$0x3FAB] =	sst s0;
	s0 =	simm.s32 @!p1 $0x0  }
0x14: {  	s2 =	sld [smem:$0x3F8F];
	s0 =	simm.s32 @p1 $0x1  }
0x15: {  	[smem:$0x3FAC] =	sst s0;
	s0 =	simm.s32 @!p2 $0x0  }
0x16: {  	s3 =	sld [smem:$0x3FDB];
	s0 =	simm.s32 @p2 $0x1  }
0x17: {  	s4 =	simm.s32 $0x1BF5;
	[smem:$0x3FAE] =	sst s0  }
0x18: {  	s0 =	sld [smem:$0x3F91];
	_ =	swait.ge [sflag:s4], $0x0  }
0x19: {  	s7 =	sld [smem:$0x3F92]  }
0x1a: {  	s8 =	sadd.s32 $0xFFFFE003, lr  }
0x1b: {  	s9 =	sadd.s32 $0xFFFFFEF7, lr;
	s5 =	simm.s32 $0xFFFFFFFF;
	p2 =	slt.u32 s8, $0xFFFFF086  }
0x1c: {  	p1 =	slt.u32 s9, $0xF7A;
	s5 =	simm.s32 @!p2 $0x0  }
0x1d: {  	s5 =	simm.s32 @p1 $0x1;
	p0 =	seq.s32 s7, s2  }
0x1e: {  	s7 =	smul.u32 @!p0 $0xF7A, s2;
	p2 =	seq.s32 @!p0 s5, $0x0  }
0x1f: {  	s9 =	smul.u32 $0xF7A, s1;
	s8 =	simm.s32 @!p0 $0x1BF5;
	p2 =	por !p2, p0  }
0x20: {  	[sflag:s8] =	ssyncset.s32 @!p0 $0xFFFFF086;
	s6 =	sadd.s32 @!p0 s3, s7;
	s7 =	simm.s32 @!p0 $0x108  }
0x21: {  	s3 =	sadd.s32 s3, s9;
	s6 =	sadd.s32 @!p0 $0x88, s6;
	s7 =	simm.s32 @p2 $0x1082  }
0x22: {  	[simem:s7], [sflag:s8] =	dma.local @!p0 [hbm:s6], $0xF7A  }
0x23: {  	s9 =	sor.u32 $0xD0000000, s2;
	s6 =	simm.s32 $0x108;
	_ =	swait.ge @!p0 [sflag:s8], $0x0  }
0x24: {  	s3 =	sadd.s32 $0x88, s3;
	s6 =	simm.s32 @!p1 $0x1082;
	[sflag:s4] =	ssyncset.s32 $0xFFFFF086  }
0x25: {  	[simem:s6], [sflag:s4] =	dma.local [hbm:s3], $0xF7A  }
0x26: {  	[smem:$0x3F92] =	sst s1;
	(tag) =	ssettag s2;
	_ =	strace s9  }
0x27: {  	s1 =	sld [smem:$0x3FA2]  }
0x28: {  	s2 =	sld [smem:$0x3FA3]  }
0x29: {  	s4 =	sld [smem:$0x3FA5]  }
0x2a: {  	p0 =	seq.s32 s5, $0x0;
	s5 =	sld [smem:$0x3FA6]  }
0x2b: {  	s6 =	sld [smem:$0x3FA7]  }
0x2c: {  	s7 =	sld [smem:$0x3FA8]  }
0x2d: {  	s3 =	simm.s32 $0x108;
	s8 =	sld [smem:$0x3FA9]  }
0x2e: {  	s3 =	simm.s32 @!p0 $0x1082;
	s9 =	sld [smem:$0x3FAA]  }
0x2f: {  	lr =	sadd.s32 s0, s3;
	s0 =	sld [smem:$0x3FA1]  }
0x30: {  	s3 =	sld [smem:$0x3FA4]  }
0x31: {  	[smem:$0x3FAD] =	sst s10  }
0x32: {  	s10 =	sld [smem:$0x3FAB];
	_ =	sdelay $0x3  }
0x33: {  	p0 =	seq.s32 s10, $0x1;
	s10 =	sld [smem:$0x3FAD];
	_ =	sdelay $0x3  }
0x34: {  	[smem:$0x3FAD] =	sst s10  }
0x35: {  	s10 =	sld [smem:$0x3FAC];
	_ =	sdelay $0x3  }
0x36: {  	p1 =	seq.s32 s10, $0x1;
	s10 =	sld [smem:$0x3FAD];
	_ =	sdelay $0x3  }
0x37: {  	[smem:$0x3FAD] =	sst s10  }
0x38: {  	s10 =	sld [smem:$0x3FAE]  }
0x39: {  	_ = 	snop;
	(pc) =	sbr.ind lr, $3  }
0x3a: {  	_ = 	snop  }
0x3b: {  	_ = 	snop  }
0x3c: {  	p2 =	seq.s32 s10, $0x1;
	s10 =	sld [smem:$0x3FAD]  }
0x3d: {  	_ =	shalt  }
0x3e: {  	_ =	shalt  }
0x3f: {  	_ =	shalt  }
0x40: {  	_ =	shalt  }
0x41: {  	_ =	shalt  }
0x42: {  	_ =	shalt  }
0x43: {  	_ =	shalt  }
0x44: {  	_ =	shalt  }
0x45: {  	_ =	shalt  }
0x46: {  	_ =	shalt  }
0x47: {  	_ =	shalt  }
0x48: {  	_ =	shalt  }
0x49: {  	_ =	shalt  }
0x4a: {  	_ =	shalt  }
0x4b: {  	_ =	shalt  }
0x4c: {  	_ =	shalt  }
0x4d: {  	_ =	shalt  }
0x4e: {  	_ =	shalt  }
0x4f: {  	_ =	shalt  }
0x50: {  	_ =	shalt  }
0x51: {  	_ =	shalt  }
0x52: {  	_ =	shalt  }
0x53: {  	_ =	shalt  }
0x54: {  	_ =	shalt  }
0x55: {  	_ =	shalt  }
0x56: {  	_ =	shalt  }
0x57: {  	_ =	shalt  }
0x58: {  	_ =	shalt  }
0x59: {  	_ =	shalt  }
0x5a: {  	_ =	shalt  }
0x5b: {  	_ =	shalt  }
0x5c: {  	_ =	shalt  }
0x5d: {  	_ =	shalt  }
0x5e: {  	_ =	shalt  }
0x5f: {  	_ =	shalt  }
0x60: {  	_ =	shalt  }
0x61: {  	_ =	shalt  }
0x62: {  	_ =	shalt  }
0x63: {  	_ =	shalt  }
0x64: {  	_ =	shalt  }
0x65: {  	_ =	shalt  }
0x66: {  	_ =	shalt  }
0x67: {  	_ =	shalt  }
0x68: {  	_ =	shalt  }
0x69: {  	_ =	shalt  }
0x6a: {  	_ =	shalt  }
0x6b: {  	_ =	shalt  }
0x6c: {  	_ =	shalt  }
0x6d: {  	_ =	shalt  }
0x6e: {  	_ =	shalt  }
0x6f: {  	_ =	shalt  }
0x70: {  	_ =	shalt  }
0x71: {  	_ =	shalt  }
0x72: {  	_ =	shalt  }
0x73: {  	_ =	shalt  }
0x74: {  	_ =	shalt  }
0x75: {  	_ =	shalt  }
0x76: {  	_ =	shalt  }
0x77: {  	_ =	shalt  }
0x78: {  	_ =	shalt  }
0x79: {  	_ =	shalt  }
0x7a: {  	_ =	shalt  }
0x7b: {  	_ =	shalt  }
0x7c: {  	_ =	shalt  }
0x7d: {  	_ =	shalt  }
0x7e: {  	_ =	shalt  }
0x7f: {  	_ =	shalt  }
0x80: {  	_ =	shalt  }
0x81: {  	_ =	shalt  }
0x82: {  	_ =	shalt  }
0x83: {  	_ =	shalt  }
0x84: {  	_ =	shalt  }
0x85: {  	_ =	shalt  }
0x86: {  	_ =	shalt  }
0x87: {  	_ =	shalt  }
.Lfunc_end0:
.L_simem_size_0:
called_computation_lowered:
.L_overlay_start_0:
0x88: {  	s2 =	sld [smem:$0x3FD9]  }
0x89: {  	s3 =	sld [smem:$0x3FFE];
	_ =	sdelay $0x1  }
0x8a: {  	s1 =	srdreg.scid  }
0x8b: {  	s0 =	sand.u32 $0x1, s1  }
0x8c: {  	s17 =	sshll.u32 s0, $0xA;
	s2 =	sadd.s32 s3, s2  }
0x8d: {  	s2 =	sadd.s32 s2, s17  }
0x8e: {  	[smem:$0x3FB9] =	sst s2  }
0x8f: {  	_ = 	snop  }
0x90: {  	s2 =	sld [smem:$0x3FC9]  }
0x91: {  	s18 =	sld [smem:$0x3FD0];
	(tm) =	ssettm $0x1  }
0x92: {  	s4 =	sld [smem:$0x3FFB];
	_ =	sdelay $0x3  }
0x93: {  	_ =	strace s4  }
0x94: {  	s4 =	sld [smem:$0x3FFC];
	_ =	sdelay $0x3  }
0x95: {  	_ =	strace s4  }
0x96: {  	s4 =	sld [smem:$0x3FFD];
	_ =	sdelay $0x3  }
0x97: {  	_ =	strace s4  }
0x98: {  	_ =	strace $0x8FFFFFFF  }
0x99: {  	s19 =	sld [smem:$0x3FDB];
	_ =	sdelay $0x1  }
0x9a: {  	s5 =	simm.s32 $_scs_section_size  }
0x9b: {  	s6 =	simm.s32 $_size__tile_overlayer_lowered;
	s7 =	simm.s32 $_tile_overlayer_lowered  }
0x9c: {  	s22 =	simm.s32 $0x1BFF;
	s21 =	sshll.u32 s7, $0x1;
	s4 =	sadd.s32 s5, s19  }
0x9d: {  	s8 =	simm.s32 $0x0;
	s20 =	sshll.u32 s6, $0x1;
	s6 =	sadd.s32 s21, s4  }
0x9e: {  	[timem:s8], [sflag:s22] =	dma.local [hbm:s6], s20  }
0x9f: {  	_ =	swait.ge [sflag:s22], s20  }
0xa0: {  	s5 =	ssub.s32 $0x0, s20;
	[sflag:s22] =	ssyncset.done $0x0  }
0xa1: {  	[sflag:s22] =	ssyncadd.s32 s5;
	_ =	sdelay $0x1  }
0xa2: {  	s23 =	simm.s32 $0x1B8B  }
0xa3: {  	_ =	swait.ge [sflag:s23], $0x1  }
0xa4: {  	[sflag:s23] =	ssyncset.done $0x0  }
0xa5: {  	s25 =	simm.s32 $0x1B8E;
	s24 =	sld [smem:$0x3FFE];
	[sflag:s23] =	ssyncadd.s32 $0xFFFFFFFF  }
0xa6: {  	s26 =	simm.s32 $execute0_lowered;
	[smem:$0x3FD2] =	sst s25  }
0xa7: {  	s6 =	sshll.u32 s26, $0x1;
	_ =	strace $0x80000046;
	[dreg:$0x1] =	wrdreg $0xFFFFFFFF  }
0xa8: {  	s28 =	simm.s32 $_size_execute0_lowered;
	s4 =	sadd.s32 s4, s6;
	[dreg:$0x0] =	wrdreg $0x0  }
0xa9: {  	s6 =	sshll.u32 s28, $0x1;
	[dreg:$0x2] =	wrdreg s4  }
0xaa: {  	[dreg:$0x3] =	wrdreg s6  }
0xab: {  	[dreg:$0x4] =	wrdreg $0xC0  }
0xac: {  	_ =	task [dreg:s8], $0x5FFFF  }
0xad: {  	[dreg:$0x1] =	wrdreg $0xFFFFFFFF  }
0xae: {  	[dreg:$0x0] =	wrdreg $0x60  }
0xaf: {  	[dreg:$0x2] =	wrdreg s2  }
0xb0: {  	[dreg:$0x3] =	wrdreg s24  }
0xb1: {  	[dreg:$0x4] =	wrdreg s18  }
0xb2: {  	[dreg:$0x5] =	wrdreg $0x92000  }
0xb3: {  	[dreg:$0x6] =	wrdreg $0x1D2800  }
0xb4: {  	[dreg:$0x7] =	wrdreg $0x9  }
0xb5: {  	_ =	task.clear_ibuf [dreg:s8], $0x8FFFF;
	_ =	strace $0x90000046  }
0xb6: {  	s29 =	simm.s32 $0x9;
	_ =	strace $0x80000048  }
0xb7: {  	_ =	swait.ge [sflag:s29], $0x1  }
0xb8: {  	[sflag:s29] =	ssyncadd.s32 $0xFFFFFFFF  }
0xb9: {  	_ =	strace $0x90000048  }
0xba: {  	_ =	sfence  }
0xbb: {  	s30 =	sld [smem:$0x0];
	_ =	sdelay $0x2  }
0xbc: {  	s31 =	sshll.u32 s1, $0xD;
	s1 =	sshrl.u32 s1, $0x2  }
0xbd: {  	s3 =	sand.u32 $0x4000, s31;
	s1 =	sadd.s32 s1, s30  }
0xbe: {  	s0 =	sor.u32 s3, s0;
	s1 =	sshll.u32 s1, $0x11  }
0xbf: {  	s0 =	sor.u32 s1, s0  }
0xc0: {  	s0 =	sadd.s32 $0x8F2B, s0  }
0xc1: {  	[sflag:s0] =	ssyncadd.remote.s32 $0x1  }
0xc2: {  	_ =	sfence.sel $0xFFFF  }
0xc3: {  	[dreg:$0x0] =	wrdreg $0xFFFFFFFF;
	(pc) =	sbr.abs _section_cstart, $3  }
0xc4: {  	[dreg:$0x1] =	wrdreg $0xFFFFFFFF  }
0xc5: {  	_ =	task.clear_ibuf [dreg:s8], $0x2FFFF;
	_ =	strace $0x9FFFFFFF  }
0xc6: {  	(tm) =	ssettm $0x7FFFFFFF  }
0xc7: {  	_ =	shalt  }
tec
execute0_lowered:
.L_overlay_start_1:
0x0: {  	(tag) =	ssettag $0x1  }
0x1: {  	s0 =	rddreg [dreg:$0x0]  }
0x2: {  	s3 =	rddreg [dreg:$0x1]  }
0x3: {  	s2 =	rddreg [dreg:$0x3]  }
0x4: {  	s5 =	srdreg.scid;
	s4 =	rddreg [dreg:$0x4]  }
0x5: {  	s25 =	stileid.u32;
	s1 =	simm.s32 $0x0;
	s20 =	simm.s32 $0x50  }
0x6: {  	s28 =	simm.s32 $0x2;
	s29 =	simm.s32 $0x4180;
	s30 =	simm.s32 $0x0  }
0x7: {  	s7 =	sand.u32 $0x1, s5;
	s8 =	smul.u32 $0x14000, s25;
	[smem:$0x7FF] =	sst s1  }
0x8: {  	s9 =	sshll.u32 s25, $0xB;
	s10 =	smul.u32 $0x50000, s25;
	s24 =	sshll.u32 s25, $0x6  }
0x9: {  	s26 =	sshll.u32 s25, $0x7;
	p0 =	sne.s32 s25, $0x0;
	s25 =	simm.s32 $0x1  }
0xa: {  	s6 =	smul.u32 $0x140000, s7;
	_ =	strace $0x80000047;
	s21 =	sadd.s32 s9, s3  }
0xb: {  	s11 =	ssub.s32 $0x2, s7;
	s12 =	sshll.u32 s7, $0x4;
	s14 =	sshll.u32 s7, $0xF  }
0xc: {  	s7 =	sor.u32 $0x1C03, s24;
	s15 =	sadd.s32 s26, s4;
	s24 =	simm.s32 $0x6A00  }
0xd: {  	s26 =	simm.s32 $0x4100;
	s13 =	sshrl.u32 s11, $0x1;
	s10 =	sshrl.u32 s10, $0x2  }
0xe: {  	s31 =	sadd.s32 $0x800, s15;
	s17 =	sadd.s32 $0x1000, s15;
	s18 =	sadd.s32 $0x1800, s15  }
0xf: {  	s19 =	sadd.s32 $0x2000, s15;
	s15 =	sshrl.u32 s15, $0x3;
	s6 =	sadd.s32 s8, s6  }
0x10: {  	s11 =	ssub.s32 s11, s13;
	s23 =	sadd.s32 s10, s2;
	s8 =	sadd.s32 s14, s21  }
0x11: {  	s13 =	simm.s32 $0x3;
	s14 =	simm.s32 $0x1D200;
	s16 =	sshrl.u32 s31, $0x3  }
0x12: {  	s17 =	sshrl.u32 s17, $0x3;
	s18 =	sshrl.u32 s18, $0x3;
	s19 =	sshrl.u32 s19, $0x3  }
0x13: {  	s21 =	simm.s32 $0x4000;
	s22 =	sshrl.u32 s6, $0x3;
	s6 =	sadd.s32 $0x12A00, s3  }
0x14: {  	s8 =	sadd.s32 $0x2A00, s8;
	s11 =	smax.u32 s11, $0x1;
	s9 =	sadd.s32 s22, s3  }
0x15: {  	s3 =	sadd.s32 s12, s3;
	s12 =	sshrl.u32 s23, $0x3;
	s22 =	simm.s32 $0x4200  }
0x16: {  	s23 =	simm.s32 $0x4080;
	s9 =	sadd.s32 $0x15C00, s9;
	s10 =	sadd.s32 $0x15200, s3  }
.LBB2_1:
0x17: {  	[spmem:s12], [sflag:s7] =	dma.local [hbm:s6], $0x2800  }
0x18: {  	_ =	swait.ge [sflag:s13], $0x2800  }
0x19: {  	[sflag:s13] =	ssyncset.done $0x0  }
0x1a: {  	[sflag:s13] =	ssyncadd.s32 $0xFFFFD800  }
0x1b: {  	s3 =	simm.s32 $0x0;
	s1 =	rddreg [dreg:$0x2]  }
0x1c: {  	[tilespmem:s14], [sflag:$0x3] =	stream.linear.gather [hbm4b:s1+s3], $0x80, $0x38;
	[tilespmem:$0x1D500] =	vst v63  }
0x1d: {  	_ =	swait.ge [sflag:s13], $0x80  }
0x1e: {  	[sflag:s13] =	ssyncset.done $0x0  }
0x1f: {  	[sflag:s13] =	ssyncadd.s32 $0xFFFFFF80  }
0x20: {  	[spmem:s15], [sflag:s7] =	dma.local [hbm:s6], $0x10  }
0x21: {  	_ =	swait.ge [sflag:s13], $0x10  }
0x22: {  	[sflag:s13] =	ssyncset.done $0x0  }
0x23: {  	[sflag:s13] =	ssyncadd.s32 $0xFFFFFFF0  }
0x24: {  	[spmem:s16], [sflag:s7] =	dma.local [hbm:s6], $0x10  }
0x25: {  	_ =	swait.ge [sflag:s13], $0x10  }
0x26: {  	[sflag:s13] =	ssyncset.done $0x0  }
0x27: {  	[sflag:s13] =	ssyncadd.s32 $0xFFFFFFF0  }
0x28: {  	[spmem:s17], [sflag:s7] =	dma.local [hbm:s6], $0x10  }
0x29: {  	_ =	swait.ge [sflag:s13], $0x10  }
0x2a: {  	[sflag:s13] =	ssyncset.done $0x0  }
0x2b: {  	[sflag:s13] =	ssyncadd.s32 $0xFFFFFFF0  }
0x2c: {  	[spmem:s18], [sflag:s7] =	dma.local [hbm:s6], $0x10  }
0x2d: {  	_ =	swait.ge [sflag:s13], $0x10  }
0x2e: {  	[sflag:s13] =	ssyncset.done $0x0  }
0x2f: {  	[sflag:s13] =	ssyncadd.s32 $0xFFFFFFF0  }
0x30: {  	[spmem:s19], [sflag:s7] =	dma.local [hbm:s6], $0x10  }
0x31: {  	_ =	swait.ge [sflag:s13], $0x10  }
0x32: {  	[sflag:s13] =	ssyncset.done $0x0  }
0x33: {  	[sflag:s13] =	ssyncadd.s32 $0xFFFFFFF0  }
0x34: {  	[tilespmem:s3], [sflag:$0x3] =	stream.linear.gather [hbm4b:s8+s3], $0x3E80, $0x38;
	[tilespmem:$0x1D500] =	vst v63  }
0x35: {  	_ =	swait.ge [sflag:s13], $0x3E80  }
0x36: {  	[sflag:s13] =	ssyncset.done $0x0  }
0x37: {  	[sflag:s13] =	ssyncadd.s32 $0xFFFFC180  }
0x38: {  	[bflag:$0x0] =	sbarrier.arrive $0xFFFF  }
0x39: {  	v0 =	vld [tilespmem:$0x0];
	_ =	sdelay $0x1  }
0x3a: {  	v1 =	vld [tilespmem:$0x10];
	_ =	sdelay $0x1  }
0x3b: {  	v2 =	vld [tilespmem:$0x20]  }
0x3c: {  	v3 =	vand.u32 $0xFFFF, v0  }
0x3d: {  	v43 =	vld [tilespmem:$0x30];
	v0 =	vshrl.u32 v0, $0x10;
	[tilespmem:$0x4000] =	vst v3  }
0x3e: {  	v44 =	vand.u32 $0xFFFF, v1;
	[tilespmem:$0x4100] =	vst v0  }
0x3f: {  	v46 =	vld [tilespmem:$0x40];
	v45 =	vshrl.u32 v1, $0x10;
	[tilespmem:$0x4010] =	vst v44  }
0x40: {  	v47 =	vand.u32 $0xFFFF, v2;
	[tilespmem:$0x4110] =	vst v45  }
0x41: {  	v48 =	vshrl.u32 v2, $0x10;
	[tilespmem:$0x4020] =	vst v47  }
0x42: {  	v49 =	vand.u32 $0xFFFF, v43;
	[tilespmem:$0x4120] =	vst v48  }
0x43: {  	v50 =	vshrl.u32 v43, $0x10;
	[tilespmem:$0x4030] =	vst v49  }
0x44: {  	v51 =	vand.u32 $0xFFFF, v46;
	[tilespmem:$0x4130] =	vst v50  }
0x45: {  	v52 =	vshrl.u32 v46, $0x10;
	[tilespmem:$0x4040] =	vst v51  }
0x46: {  	s5 =	simm.s32 $0x0;
	[tilespmem:$0x4140] =	vst v52  }
0x47: {  	[tilespmem:s22], [sflag:$0x1] =	stream.indirect.gather [hbm4b:s0+s20], $0x80, s21, s20, $0xb8;
	[tilespmem:$0x1D500] =	vst v63  }
0x48: {  	v0 =	vld [tilespmem:s5+$0x80];
	_ =	sdelay $0x4  }
0x49: {  	v53 =	vand.u32 $0xFFFF, v0  }
0x4a: {  	v0 =	vshrl.u32 v0, $0x10;
	[tilespmem:$0x4080] =	vst v53  }
0x4b: {  	[tilespmem:$0x4180] =	vst v0  }
0x4c: {  	v0 =	vld [tilespmem:s5+$0x90];
	_ =	sdelay $0x4  }
0x4d: {  	v54 =	vand.u32 $0xFFFF, v0  }
0x4e: {  	v0 =	vshrl.u32 v0, $0x10;
	[tilespmem:$0x4090] =	vst v54  }
0x4f: {  	[tilespmem:$0x4190] =	vst v0  }
0x50: {  	v0 =	vld [tilespmem:s5+$0xA0];
	_ =	sdelay $0x4  }
0x51: {  	v55 =	vand.u32 $0xFFFF, v0  }
0x52: {  	v0 =	vshrl.u32 v0, $0x10;
	[tilespmem:$0x40A0] =	vst v55  }
0x53: {  	[tilespmem:$0x41A0] =	vst v0  }
0x54: {  	v0 =	vld [tilespmem:s5+$0xB0];
	_ =	sdelay $0x4  }
0x55: {  	v56 =	vand.u32 $0xFFFF, v0  }
0x56: {  	v0 =	vshrl.u32 v0, $0x10;
	[tilespmem:$0x40B0] =	vst v56  }
0x57: {  	[tilespmem:$0x41B0] =	vst v0  }
0x58: {  	v0 =	vld [tilespmem:s5+$0xC0];
	_ =	sdelay $0x4  }
0x59: {  	v57 =	vand.u32 $0xFFFF, v0  }
0x5a: {  	v0 =	vshrl.u32 v0, $0x10;
	[tilespmem:$0x40C0] =	vst v57  }
0x5b: {  	[tilespmem:$0x41C0] =	vst v0  }
0x5c: {  	[tilespmem:s24], [sflag:$0x2] =	stream.indirect.gather [hbm4b:s0+s20], $0x80, s23, s20, $0xb8;
	[tilespmem:$0x1D500] =	vst v63  }
0x5d: {  	_ =	swait.ge [sflag:s25], $0x2800  }
0x5e: {  	[sflag:s25] =	ssyncset.done $0x0  }
0x5f: {  	[sflag:s25] =	ssyncadd.s32 $0xFFFFD800  }
0x60: {  	[spmem:s4] =	stream.indirect.scatter.add.f32 [tilespmem:s14], [sflag:$0x1], $0x1, s26, s20, $0xb8;
	[tilespmem:$0x1D500] =	vst v63  }
0x61: {  	_ = 	snop  }
0x62: {  	[spmem:s2] =	stream.indirect.scatter.add.f32 [tilespmem:s22], [sflag:$0x3], $0x80, s26, s20, $0xb8;
	[tilespmem:$0x1D500] =	vst v63  }
0x63: {  	_ =	swait.ge [sflag:s13], $0x2800  }
0x64: {  	[sflag:s13] =	ssyncset.done $0x0  }
0x65: {  	[sflag:s13] =	ssyncadd.s32 $0xFFFFD800  }
0x66: {  	_ =	swait.ge [sflag:s25], $0x50  }
0x67: {  	[sflag:s25] =	ssyncset.done $0x0  }
0x68: {  	[sflag:s25] =	ssyncadd.s32 $0xFFFFFFB0  }
0x69: {  	v58 =	vld [tilespmem:s5+$0x100];
	_ =	sdelay $0x4  }
0x6a: {  	v59 =	vand.u32 $0xFFFF, v58  }
0x6b: {  	v0 =	vshrl.u32 v58, $0x10;
	[tilespmem:$0x4000] =	vst v59  }
0x6c: {  	[tilespmem:$0x4100] =	vst v0  }
0x6d: {  	v0 =	vld [tilespmem:s5+$0x110];
	_ =	sdelay $0x4  }
0x6e: {  	v60 =	vand.u32 $0xFFFF, v0  }
0x6f: {  	v0 =	vshrl.u32 v0, $0x10;
	[tilespmem:$0x4010] =	vst v60  }
0x70: {  	[tilespmem:$0x4110] =	vst v0  }
0x71: {  	v0 =	vld [tilespmem:s5+$0x120];
	_ =	sdelay $0x4  }
0x72: {  	v61 =	vand.u32 $0xFFFF, v0  }
0x73: {  	v0 =	vshrl.u32 v0, $0x10;
	[tilespmem:$0x4020] =	vst v61  }
0x74: {  	[tilespmem:$0x4120] =	vst v0  }
0x75: {  	v0 =	vld [tilespmem:s5+$0x130];
	_ =	sdelay $0x4  }
0x76: {  	v62 =	vand.u32 $0xFFFF, v0  }
0x77: {  	v0 =	vshrl.u32 v0, $0x10;
	[tilespmem:$0x4030] =	vst v62  }
0x78: {  	[tilespmem:$0x4130] =	vst v0  }
0x79: {  	v0 =	vld [tilespmem:s5+$0x140];
	_ =	sdelay $0x4  }
0x7a: {  	v63 =	vand.u32 $0xFFFF, v0  }
0x7b: {  	v0 =	vshrl.u32 v0, $0x10;
	[tilespmem:$0x4040] =	vst v63  }
0x7c: {  	[tilespmem:$0x4140] =	vst v0  }
0x7d: {  	[tilespmem:s22], [sflag:$0x1] =	stream.indirect.gather [hbm4b:s0+s20], $0x80, s21, s20, $0xb8;
	[tilespmem:$0x1D500] =	vst v63  }
0x7e: {  	s31 =	simm.s32 $0x400;
	_ =	swait.ge [sflag:s28], $0x2800  }
.LBB2_2:
0x7f: {  	p1 =	sne.s32 s31, $0xF400  }
0x80: {  	[sflag:s28] =	ssyncset.done $0x0;
	s3 =	smov.u32 s31;
	s31 =	sadd.s32 $0x400, s31  }
0x81: {  	[sflag:s28] =	ssyncadd.s32 $0xFFFFD800  }
0x82: {  	[spmem:s4] =	stream.indirect.scatter.add.f32 [tilespmem:s14], [sflag:$0x2], $0x1, s29, s20, $0xb8;
	[tilespmem:$0x1D500] =	vst v63  }
0x83: {  	_ = 	snop  }
0x84: {  	[spmem:s2] =	stream.indirect.scatter.add.f32 [tilespmem:s24], [sflag:$0x3], $0x80, s29, s20, $0xb8;
	[tilespmem:$0x1D500] =	vst v63  }
0x85: {  	_ =	swait.ge [sflag:s13], $0x2800  }
0x86: {  	[sflag:s13] =	ssyncset.done $0x0  }
0x87: {  	[sflag:s13] =	ssyncadd.s32 $0xFFFFD800  }
0x88: {  	_ =	swait.ge [sflag:s28], $0x50  }
0x89: {  	[sflag:s28] =	ssyncset.done $0x0  }
0x8a: {  	s3 =	sshra.s32 s3, $0x2;
	[sflag:s28] =	ssyncadd.s32 $0xFFFFFFB0  }
0x8b: {  	v0 =	vld [tilespmem:s3+$0x80];
	_ =	sdelay $0x4  }
0x8c: {  	v1 =	vand.u32 $0xFFFF, v0;
	v0 =	vshrl.u32 v0, $0x10  }
0x8d: {  	[tilespmem:$0x4080] =	vst v1  }
0x8e: {  	[tilespmem:$0x4180] =	vst v0  }
0x8f: {  	v0 =	vld [tilespmem:s3+$0x90];
	_ =	sdelay $0x4  }
0x90: {  	v1 =	vand.u32 $0xFFFF, v0;
	v0 =	vshrl.u32 v0, $0x10  }
0x91: {  	[tilespmem:$0x4090] =	vst v1  }
0x92: {  	[tilespmem:$0x4190] =	vst v0  }
0x93: {  	v0 =	vld [tilespmem:s3+$0xA0];
	_ =	sdelay $0x4  }
0x94: {  	v1 =	vand.u32 $0xFFFF, v0;
	v0 =	vshrl.u32 v0, $0x10  }
0x95: {  	[tilespmem:$0x40A0] =	vst v1  }
0x96: {  	[tilespmem:$0x41A0] =	vst v0  }
0x97: {  	v0 =	vld [tilespmem:s3+$0xB0];
	_ =	sdelay $0x4  }
0x98: {  	v1 =	vand.u32 $0xFFFF, v0;
	v0 =	vshrl.u32 v0, $0x10  }
0x99: {  	[tilespmem:$0x40B0] =	vst v1  }
0x9a: {  	[tilespmem:$0x41B0] =	vst v0  }
0x9b: {  	v0 =	vld [tilespmem:s3+$0xC0];
	_ =	sdelay $0x4  }
0x9c: {  	v1 =	vand.u32 $0xFFFF, v0;
	v0 =	vshrl.u32 v0, $0x10  }
0x9d: {  	[tilespmem:$0x40C0] =	vst v1  }
0x9e: {  	[tilespmem:$0x41C0] =	vst v0  }
0x9f: {  	[tilespmem:s24], [sflag:$0x2] =	stream.indirect.gather [hbm4b:s0+s20], $0x80, s23, s20, $0xb8;
	[tilespmem:$0x1D500] =	vst v63  }
0xa0: {  	_ =	swait.ge [sflag:s25], $0x2800  }
0xa1: {  	[sflag:s25] =	ssyncset.done $0x0  }
0xa2: {  	[sflag:s25] =	ssyncadd.s32 $0xFFFFD800  }
0xa3: {  	[spmem:s4] =	stream.indirect.scatter.add.f32 [tilespmem:s14], [sflag:$0x1], $0x1, s26, s20, $0xb8;
	[tilespmem:$0x1D500] =	vst v63  }
0xa4: {  	_ = 	snop  }
0xa5: {  	[spmem:s2] =	stream.indirect.scatter.add.f32 [tilespmem:s22], [sflag:$0x3], $0x80, s26, s20, $0xb8;
	[tilespmem:$0x1D500] =	vst v63  }
0xa6: {  	_ =	swait.ge [sflag:s13], $0x2800  }
0xa7: {  	[sflag:s13] =	ssyncset.done $0x0  }
0xa8: {  	[sflag:s13] =	ssyncadd.s32 $0xFFFFD800  }
0xa9: {  	_ =	swait.ge [sflag:s25], $0x50  }
0xaa: {  	[sflag:s25] =	ssyncset.done $0x0  }
0xab: {  	[sflag:s25] =	ssyncadd.s32 $0xFFFFFFB0  }
0xac: {  	v0 =	vld [tilespmem:s3+$0x100];
	_ =	sdelay $0x4  }
0xad: {  	v1 =	vand.u32 $0xFFFF, v0;
	v0 =	vshrl.u32 v0, $0x10  }
0xae: {  	[tilespmem:$0x4000] =	vst v1  }
0xaf: {  	[tilespmem:$0x4100] =	vst v0  }
0xb0: {  	v0 =	vld [tilespmem:s3+$0x110];
	_ =	sdelay $0x4  }
0xb1: {  	v1 =	vand.u32 $0xFFFF, v0;
	v0 =	vshrl.u32 v0, $0x10  }
0xb2: {  	[tilespmem:$0x4010] =	vst v1  }
0xb3: {  	[tilespmem:$0x4110] =	vst v0  }
0xb4: {  	v0 =	vld [tilespmem:s3+$0x120];
	_ =	sdelay $0x4  }
0xb5: {  	v1 =	vand.u32 $0xFFFF, v0;
	v0 =	vshrl.u32 v0, $0x10  }
0xb6: {  	[tilespmem:$0x4020] =	vst v1  }
0xb7: {  	[tilespmem:$0x4120] =	vst v0  }
0xb8: {  	v0 =	vld [tilespmem:s3+$0x130];
	_ =	sdelay $0x4  }
0xb9: {  	v1 =	vand.u32 $0xFFFF, v0;
	v0 =	vshrl.u32 v0, $0x10  }
0xba: {  	[tilespmem:$0x4030] =	vst v1  }
0xbb: {  	[tilespmem:$0x4130] =	vst v0  }
0xbc: {  	v0 =	vld [tilespmem:s3+$0x140];
	_ =	sdelay $0x4  }
.Ltmp0:
0xbd: {  	v1 =	vand.u32 $0xFFFF, v0;
	v0 =	vshrl.u32 v0, $0x10;
	(pc) =	sbr.rel @p1 .LBB2_2-.Ltmp0, $4  }
0xbe: {  	[tilespmem:$0x4040] =	vst v1  }
0xbf: {  	[tilespmem:$0x4140] =	vst v0  }
0xc0: {  	[tilespmem:s22], [sflag:$0x1] =	stream.indirect.gather [hbm4b:s0+s20], $0x80, s21, s20, $0xb8;
	[tilespmem:$0x1D500] =	vst v63  }
0xc1: {  	_ =	swait.ge [sflag:s28], $0x2800  }
0xc2: {  	[sflag:s28] =	ssyncset.done $0x0  }
0xc3: {  	[sflag:s28] =	ssyncadd.s32 $0xFFFFD800  }
0xc4: {  	[spmem:s4] =	stream.indirect.scatter.add.f32 [tilespmem:s14], [sflag:$0x2], $0x1, s29, s20, $0xb8;
	[tilespmem:$0x1D500] =	vst v63  }
0xc5: {  	_ = 	snop  }
0xc6: {  	[spmem:s2] =	stream.indirect.scatter.add.f32 [tilespmem:s24], [sflag:$0x3], $0x80, s29, s20, $0xb8;
	[tilespmem:$0x1D500] =	vst v63  }
0xc7: {  	_ =	swait.ge [sflag:s13], $0x2800  }
0xc8: {  	[sflag:s13] =	ssyncset.done $0x0  }
0xc9: {  	[sflag:s13] =	ssyncadd.s32 $0xFFFFD800  }
0xca: {  	_ =	swait.ge [sflag:s28], $0x50  }
0xcb: {  	[sflag:s28] =	ssyncset.done $0x0  }
0xcc: {  	[sflag:s28] =	ssyncadd.s32 $0xFFFFFFB0  }
0xcd: {  	_ =	swait.ge [sflag:s25], $0x2800  }
0xce: {  	[sflag:s25] =	ssyncset.done $0x0  }
0xcf: {  	[sflag:s25] =	ssyncadd.s32 $0xFFFFD800  }
0xd0: {  	[spmem:s4] =	stream.indirect.scatter.add.f32 [tilespmem:s14], [sflag:$0x1], $0x1, s26, s20, $0xb8;
	[tilespmem:$0x1D500] =	vst v63  }
0xd1: {  	_ = 	snop  }
0xd2: {  	[spmem:s2] =	stream.indirect.scatter.add.f32 [tilespmem:s22], [sflag:$0x3], $0x80, s26, s20, $0xb8;
	[tilespmem:$0x1D500] =	vst v63  }
0xd3: {  	_ =	swait.ge [sflag:s13], $0x2800  }
0xd4: {  	[sflag:s13] =	ssyncset.done $0x0  }
0xd5: {  	[sflag:s13] =	ssyncadd.s32 $0xFFFFD800  }
0xd6: {  	_ =	swait.ge [sflag:s25], $0x50  }
0xd7: {  	[sflag:s25] =	ssyncset.done $0x0  }
0xd8: {  	[sflag:s25] =	ssyncadd.s32 $0xFFFFFFB0  }
0xd9: {  	[bflag:$0x0] =	sbarrier.arrive $0xFFFF  }
0xda: {  	[hbm:s9], [sflag:s7] =	dma.local [spmem:s12], $0x2800  }
0xdb: {  	s3 =	sshrl.u32 @!p0 s4, $0x3;
	s31 =	simm.s32 @!p0 $0x1;
	_ =	swait.ge [sflag:s13], $0x2800  }
0xdc: {  	s1 =	simm.s32 @!p0 $0x20;
	s30 =	sadd.s32 $0x1, s30;
	[sflag:s13] =	ssyncset.done $0x0  }
0xdd: {  	s5 =	simm.s32 @!p0 $0x10;
	p1 =	sne.s32 s30, s11;
	[sflag:s13] =	ssyncadd.s32 $0xFFFFD800  }
0xde: {  	[hbm:s10@s1], [sflag:s7] =	dma.strided @!p0 [spmem:s3@s5], $0x500, s31, $0x10   }
.Ltmp1:
0xdf: {  	_ = 	snop;
	(pc) =	sbr.rel @p1 .LBB2_1-.Ltmp1, $4  }
0xe0: {  	s1 =	simm.s32 @!p0 $0x3  }
0xe1: {  	_ =	swait.ge @!p0 [sflag:s1], $0x500  }
0xe2: {  	[sflag:s1] =	ssyncset.done @!p0 $0x0  }
0xe3: {  	[sflag:s1] =	ssyncadd.s32 @!p0 $0xFFFFFB00  }
0xe4: {  	_ =	sfence.sel $0x180000  }
0xe5: {  	[bflag:$0x0] =	sbarrier.arrive $0xFFFF  }
0xe6: {  	_ =	strace $0x90000047  }
0xe7: {  	[bflag:$0x2] =	sbarrier.arrive $0xFFFF  }
0xe8: {  	s0 =	rddreg [dreg:$0x5]  }
0xe9: {  	s0 =	sadd.s32 @!p0 $0x100000, s0  }
0xea: {  	[sflag:s0] =	ssyncadd.tile.s32 @!p0 $0x1;
	_ =	shalt  }
.Lfunc_end2:
_tile_overlayer_lowered:
.L_overlay_start_2:
0xeb: {  	(tag) =	ssettag $0x2  }
0xec: {  	s0 =	rddreg [dreg:$0x0];
	s2 =	stileid.u32  }
0xed: {  	s1 =	rddreg [dreg:$0x1];
	p0 =	sne.s32 s2, $0x0  }
0xee: {  	s3 =	rddreg [dreg:$0x2];
	[bflag:$0x3] =	sbarrier.arrive $0xFFFF;
	s2 =	simm.s32 @!p0 $0x1C03  }
0xef: {  	[timem:s3], [sflag:s2] =	dma.local @!p0 [hbm:s0], s1  }
0xf0: {  	s0 =	simm.s32 @!p0 $0x3  }
0xf1: {  	_ =	swait.ge @!p0 [sflag:s0], s1  }
0xf2: {  	s1 =	ssub.s32 @!p0 $0x0, s1;
	[sflag:s0] =	ssyncset.done @!p0 $0x0  }
0xf3: {  	[sflag:s0] =	ssyncadd.s32 @!p0 s1  }
0xf4: {  	[bflag:$0x3] =	sbarrier.arrive $0xFFFF  }
0xf5: {  	_ =	shalt  }

</sc_bundles>
